<compile_context>
chip_gen: v7x
topology: tpu7x:2x2x1
jax: 0.10.2.dev20260603
libtpu: 0.0.44.dev20260713+nightly
codegen_flags: <defaults>
</compile_context>

<pallas_src>
import functools

import jax
import jax.numpy as jnp
from jax import lax
from jax.experimental import pallas as pl
from jax.experimental.pallas import tpu as pltpu
from jax.experimental.pallas import tpu_sc as plsc



_CH = 128
_SLAB = 2048


def _sc_gather(hist_idx, hist_tab, user_id, user_tab, movie_id, item_tab):
    ntot = hist_idx.shape[0]
    b = user_id.shape[0]
    d = hist_tab.shape[1]
    pack = 128 // d
    info = plsc.get_sparse_core_info()
    nc, ns = info.num_cores, info.num_subcores
    nw = nc * ns
    assert ntot % (nw * _SLAB) == 0 and b % (nw * _CH) == 0
    rpw = ntot // nw
    nslab = rpw // _SLAB
    nch = _SLAB // _CH
    bpw = b // nw
    nch_b = bpw // _CH

    mesh = plsc.VectorSubcoreMesh(core_axis_name="c", subcore_axis_name="s")

    @functools.partial(
        pl.kernel,
        out_type=(
            jax.ShapeDtypeStruct((ntot, d), jnp.float32),
            jax.ShapeDtypeStruct((b, d), jnp.float32),
            jax.ShapeDtypeStruct((b, d), jnp.float32),
        ),
        mesh=mesh,
        compiler_params=pltpu.CompilerParams(use_tc_tiling_on_sc=False),
        scratch_types=[
            pltpu.VMEM((_SLAB,), jnp.int32),
            pltpu.VMEM((_SLAB, d), jnp.float32),
            pltpu.SemaphoreType.DMA,
        ],
    )
    def k(hidx, htab, uid, utab, mid, itab, hist_out, user_out, item_out,
          idx_v, rows_v, sem):
        wid = lax.axis_index("s") * nc + lax.axis_index("c")

        def gather_slab(idx_hbm, tab_hbm, off, n):
            pltpu.sync_copy(idx_hbm.at[pl.ds(off, n * _CH)],
                            idx_v.at[pl.ds(0, n * _CH)])
            cps = [
                pltpu.async_copy(tab_hbm.at[idx_v.at[pl.ds(c * _CH, _CH)]],
                                 rows_v.at[pl.ds(c * _CH, _CH)], sem)
                for c in range(n)
            ]
            for cp in cps:
                cp.wait()

        base = wid * rpw

        def body(s, carry):
            off = base + s * _SLAB
            gather_slab(hidx, htab, off, nch)
            pltpu.sync_copy(rows_v, hist_out.at[pl.ds(off, _SLAB)])
            return carry

        lax.fori_loop(0, nslab, body, 0)

        gather_slab(uid, utab, wid * bpw, nch_b)
        pltpu.sync_copy(rows_v.at[pl.ds(0, bpw)],
                        user_out.at[pl.ds(wid * bpw, bpw)])
        gather_slab(mid, itab, wid * bpw, nch_b)
        pltpu.sync_copy(rows_v.at[pl.ds(0, bpw)],
                        item_out.at[pl.ds(wid * bpw, bpw)])

    return k(hist_idx, hist_tab, user_id, user_tab, movie_id, item_tab)




def _tc_forward(hist_pack, user_e, item_e, dense, genres,
                w8h, w1t, b1, w2blk, e8, f128,
                bw1, bb1, bw2, bb2, gw, gb,
                tw1, tb1, tw2, tb2, tw3, tb3, l, bt):
    b, d = user_e.shape
    pack = 128 // d
    lp = l // pack
    nd = dense.shape[1]
    g = genres.shape[1]
    grid = (b // bt,)
    npk = bt * lp

    seg = jnp.kron(jnp.eye(bt, dtype=jnp.float32),
                   jnp.ones((1, lp), jnp.float32))
    segt = seg.T

    def body(hist_ref, ue_ref, ie_ref, de_ref, ge_ref,
             w8h_ref, w1t_ref, b1_ref, w2blk_ref, e8_ref, f128_ref,
             seg_ref, segt_ref,
             bw1_ref, bb1_ref, bw2_ref, bb2_ref, gw_ref, gb_ref,
             tw1_ref, tb1_ref, tw2_ref, tb2_ref, tw3_ref, tb3_ref,
             out_ref):
        hp = hist_ref[...]
        t = ie_ref[...]
        t8 = jnp.concatenate([t] * pack, axis=1)
        tx = jnp.dot(segt_ref[...], t8, preferred_element_type=jnp.float32)
        pp = hp * tx
        x = jnp.concatenate([hp, pp], axis=1)
        hk = jnp.dot(x, w8h_ref[...], preferred_element_type=jnp.float32)
        ct = jnp.dot(t, w1t_ref[...], preferred_element_type=jnp.float32)
        ct = ct + b1_ref[...]
        ct8 = jnp.concatenate([ct] * pack, axis=1)
        ctx = jnp.dot(segt_ref[...], ct8, preferred_element_type=jnp.float32)
        a = jnp.maximum(hk + ctx, 0)
        sp = jnp.dot(a, w2blk_ref[...], preferred_element_type=jnp.float32)
        spad = jnp.dot(jnp.maximum(ct8, 0), w2blk_ref[...],
                       preferred_element_type=jnp.float32)
        spt = sp.T
        spadx = jnp.dot(spad.T, seg_ref[...],
                        preferred_element_type=jnp.float32)
        sm = jnp.where(spt == spadx, -1e9, spt)
        et = jnp.exp(sm)
        cs = jnp.sum(et, axis=0, keepdims=True)
        zb = jnp.dot(cs, segt_ref[...], preferred_element_type=jnp.float32)
        rz = 1.0 / jnp.maximum(zb, 1e-30)
        rzx = jnp.dot(rz, seg_ref[...], preferred_element_type=jnp.float32)
        wp = (et * rzx).T
        wexp = jnp.dot(wp, e8_ref[...], preferred_element_type=jnp.float32)
        hw = hp * wexp
        whs = jnp.dot(seg_ref[...], hw,
                      preferred_element_type=jnp.float32)
        hist_e = jnp.dot(whs, f128_ref[...],
                         preferred_element_type=jnp.float32)

        d1 = jnp.maximum(jnp.dot(de_ref[...], bw1_ref[...],
                                 preferred_element_type=jnp.float32)
                         + bb1_ref[...], 0.0)
        dense_e = jnp.maximum(jnp.dot(d1, bw2_ref[...],
                                      preferred_element_type=jnp.float32)
                              + bb2_ref[...], 0.0)
        genre_e = jnp.maximum(jnp.dot(ge_ref[...], gw_ref[...],
                                      preferred_element_type=jnp.float32)
                              + gb_ref[...], 0.0)
        vecs = [ue_ref[...], t, hist_e, dense_e, genre_e]
        dots = []
        for i in range(5):
            for j in range(i + 1, 5):
                dots.append(jnp.sum(vecs[i] * vecs[j], axis=-1, keepdims=True))
        cat = jnp.concatenate(dots + vecs, axis=-1)
        x = jnp.maximum(jnp.dot(cat, tw1_ref[...],
                                preferred_element_type=jnp.float32)
                        + tb1_ref[...], 0.0)
        x = jnp.maximum(jnp.dot(x, tw2_ref[...],
                                preferred_element_type=jnp.float32)
                        + tb2_ref[...], 0.0)
        y = jnp.dot(x, tw3_ref[...], preferred_element_type=jnp.float32)
        out_ref[...] = y + tb3_ref[0, 0]

    row = lambda i: (i, 0)
    fixed = lambda i: (0, 0)
    consts = [w8h, w1t, b1, w2blk, e8, f128, seg, segt,
              bw1, bb1, bw2, bb2, gw, gb, tw1, tb1, tw2, tb2, tw3, tb3]
    return pl.pallas_call(
        body,
        grid=grid,
        in_specs=[
            pl.BlockSpec((npk, 128), row),
            pl.BlockSpec((bt, d), row),
            pl.BlockSpec((bt, d), row),
            pl.BlockSpec((bt, nd), row),
            pl.BlockSpec((bt, g), row),
        ] + [pl.BlockSpec(c.shape, fixed) for c in consts],
        out_specs=pl.BlockSpec((bt, 1), row),
        out_shape=jax.ShapeDtypeStruct((b, 1), jnp.float32),
    )(hist_pack, user_e, item_e, dense, genres, *consts)


def kernel(user_id, movie_id, dense, history, genres,
           user_table, item_table, hist_table,
           din_w1, din_b1, din_w2, din_b2,
           bot_w1, bot_b1, bot_w2, bot_b2,
           gen_w, gen_b,
           top_w1, top_b1, top_w2, top_b2, top_w3, top_b3):
    b, l = history.shape
    d = hist_table.shape[1]
    pack = 128 // d
    pad = hist_table.shape[0] - 1

    hist2, user_e, item_e = _sc_gather(
        history.reshape(b * l), hist_table, user_id, user_table,
        movie_id, item_table)
    hist_pack = hist2.reshape(b * l // pack, d * pack)

    eye8 = jnp.eye(pack, dtype=jnp.float32)
    w8h = jnp.concatenate([jnp.kron(eye8, din_w1[:d]),
                           jnp.kron(eye8, din_w1[2 * d:])])
    w2blk = jnp.kron(eye8, din_w2)
    e8 = jnp.kron(eye8, jnp.ones((1, d), jnp.float32))
    f128 = jnp.kron(jnp.ones((pack, 1), jnp.float32),
                    jnp.eye(d, dtype=jnp.float32))

    out = _tc_forward(
        hist_pack, user_e, item_e, dense, genres,
        w8h, din_w1[d:2 * d], din_b1.reshape(1, -1), w2blk, e8, f128,
        bot_w1, bot_b1.reshape(1, -1), bot_w2, bot_b2.reshape(1, -1),
        gen_w, gen_b.reshape(1, -1),
        top_w1, top_b1.reshape(1, -1), top_w2, top_b2.reshape(1, -1),
        top_w3, top_b3.reshape(1, 1), l, bt=128)
    return out[:, 0]

# --- scband reference (transcript-rebuilt; emitter-appended) ---
"""Pipeline reference for scband-dlrm-23278722744798 (READ-ONLY COPY).

The authoritative reference and input builder live on the scoring server;
editing this copy changes nothing except your own understanding.
"""

import jax, jax.numpy as jnp
import numpy as np

NUM_USERS = 1000000
NUM_ITEMS = 1000000
NUM_GENRES = 20
D = 16
B = 16384
L = 200
ND = 8
PAD = NUM_ITEMS


def _xavier(k, fi, fo):
    lim = float(np.sqrt(6.0 / (fi + fo)))
    return jax.random.uniform(k, (fi, fo), minval=-lim, maxval=lim, dtype=jnp.float32)


def setup_inputs(seed: int = 0) -> dict:
    key = jax.random.key(seed)
    ks = [jax.random.fold_in(key, i) for i in range(20)]
    user_id = jax.random.randint(ks[0], (B,), 0, NUM_USERS)
    movie_id = jax.random.randint(ks[1], (B,), 0, NUM_ITEMS)
    dense = jax.random.normal(ks[2], (B, ND), dtype=jnp.float32)
    history = jax.random.randint(ks[3], (B, L), 0, NUM_ITEMS + 1)
    genres = jax.random.uniform(ks[4], (B, NUM_GENRES), dtype=jnp.float32)
    user_table = jax.random.normal(ks[5], (NUM_USERS, D), dtype=jnp.float32) * 0.01
    item_table = jax.random.normal(ks[6], (NUM_ITEMS, D), dtype=jnp.float32) * 0.01
    hist_table = jax.random.normal(ks[7], (NUM_ITEMS + 1, D), dtype=jnp.float32) * 0.01
    hist_table = hist_table.at[PAD].set(0.0)
    return {
        'user_id': user_id, 'movie_id': movie_id, 'dense': dense,
        'history': history, 'genres': genres,
        'user_table': user_table, 'item_table': item_table, 'hist_table': hist_table,
        'din_w1': _xavier(ks[8], 3 * D, 64), 'din_b1': jnp.zeros((64,), jnp.float32),
        'din_w2': _xavier(ks[9], 64, 1), 'din_b2': jnp.zeros((1,), jnp.float32),
        'bot_w1': _xavier(ks[10], ND, 64), 'bot_b1': jnp.zeros((64,), jnp.float32),
        'bot_w2': _xavier(ks[11], 64, D), 'bot_b2': jnp.zeros((D,), jnp.float32),
        'gen_w': _xavier(ks[12], NUM_GENRES, D), 'gen_b': jnp.zeros((D,), jnp.float32),
        'top_w1': _xavier(ks[13], 10 + 5 * D, 256), 'top_b1': jnp.zeros((256,), jnp.float32),
        'top_w2': _xavier(ks[14], 256, 128), 'top_b2': jnp.zeros((128,), jnp.float32),
        'top_w3': _xavier(ks[15], 128, 1), 'top_b3': jnp.zeros((1,), jnp.float32),
    }


def reference(user_id, movie_id, dense, history, genres,
              user_table, item_table, hist_table,
              din_w1, din_b1, din_w2, din_b2,
              bot_w1, bot_b1, bot_w2, bot_b2,
              gen_w, gen_b,
              top_w1, top_b1, top_w2, top_b2, top_w3, top_b3):
    user_e = jnp.take(user_table, user_id, axis=0)
    item_e = jnp.take(item_table, movie_id, axis=0)
    hist_e_raw = jnp.take(hist_table, history, axis=0)  # [B, L, D]
    target_e = jnp.broadcast_to(item_e[:, None, :], hist_e_raw.shape)
    attn_in = jnp.concatenate([hist_e_raw, target_e, hist_e_raw * target_e], axis=-1)
    h = jax.nn.relu(attn_in @ din_w1 + din_b1)
    attn_w = (h @ din_w2 + din_b2)[..., 0]  # [B, L]
    attn_w = jnp.where(history == PAD, -1000000000.0, attn_w)
    attn_w = jax.nn.softmax(attn_w, axis=-1)[..., None]
    hist_e = jnp.sum(hist_e_raw * attn_w, axis=1)
    dense_e = jax.nn.relu(jax.nn.relu(dense @ bot_w1 + bot_b1) @ bot_w2 + bot_b2)
    genre_e = jax.nn.relu(genres @ gen_w + gen_b)
    vecs = [user_e, item_e, hist_e, dense_e, genre_e]
    dots = []
    for i in range(len(vecs)):
        for j in range(i + 1, len(vecs)):
            dots.append(jnp.sum(vecs[i] * vecs[j], axis=-1, keepdims=True))
    out = jnp.concatenate(dots + vecs, axis=-1)
    out = jax.nn.relu(out @ top_w1 + top_b1)
    out = jax.nn.relu(out @ top_w2 + top_b2)  # dropout is identity in eval
    out = out @ top_w3 + top_b3
    return out[..., 0]

if __name__ == "__main__":
    import jax
    _d = setup_inputs()
    print(jax.jit(kernel)(*tuple(_d.values())))

</pallas_src>

<mosaic_0001>
#map = affine_map<(d0, d1) -> (0)>
#map1 = affine_map<(d0, d1) -> (0, 0)>
module attributes {stable_mosaic.version = 14 : i64} {
  func.func @k(%arg0: i32, %arg1: i32, %arg2: memref<3276800xi32, #tpu.memory_space<hbm>>, %arg3: memref<1000001x16xf32, #tpu.memory_space<hbm>>, %arg4: memref<16384xi32, #tpu.memory_space<hbm>>, %arg5: memref<1000000x16xf32, #tpu.memory_space<hbm>>, %arg6: memref<16384xi32, #tpu.memory_space<hbm>>, %arg7: memref<1000000x16xf32, #tpu.memory_space<hbm>>, %arg8: memref<3276800x16xf32, #tpu.memory_space<hbm>>, %arg9: memref<16384x16xf32, #tpu.memory_space<hbm>>, %arg10: memref<16384x16xf32, #tpu.memory_space<hbm>>, %arg11: memref<2048xi32, #tpu.memory_space<vmem>>, %arg12: memref<2048x16xf32, #tpu.memory_space<vmem>>, %arg13: memref<!tpu.dma_semaphore, #tpu.memory_space<semaphore_mem>>) attributes {dimension_semantics = [#tpu.dimension_semantics<core_parallel>, #tpu.dimension_semantics<subcore_parallel>], iteration_bounds = array<i64: 2, 16>, scalar_prefetch = 0 : i64, scratch_operands = 3 : i64, tpu.core_type = #tpu.core_type<sc_vector_subcore>, window_params = [{transform_indices = #map}, {transform_indices = #map1}, {transform_indices = #map}, {transform_indices = #map1}, {transform_indices = #map}, {transform_indices = #map1}, {transform_indices = #map1}, {transform_indices = #map1}, {transform_indices = #map1}]} {
    %mul3A = arith.constant 2 : i32
    %mul3A_0 = arith.muli %arg1, %mul3A : i32
    %add3A = arith.addi %mul3A_0, %arg0 : i32
    %mul3A_1 = arith.constant 102400 : i32
    %mul3A_2 = arith.muli %add3A, %mul3A_1 : i32
    %scan3A = arith.constant 0 : i32
    %scan3A_3 = arith.constant 0 : i32
    %scan3A_4 = arith.constant 50 : i32
    %scan3A_5 = arith.addi %scan3A_3, %scan3A_4 : i32
    %scan3A_6 = arith.constant 1 : i32
    scf.for %scan3A_142 = %scan3A_3 to %scan3A_5 step %scan3A_6  : i32 {
      %mul3A_143 = arith.constant 2048 : i32
      %mul3A_144 = arith.muli %scan3A_142, %mul3A_143 : i32
      %add3A_145 = arith.addi %mul3A_2, %mul3A_144 : i32
      "tpu.region"() ({
        %run_scoped3A = tpu.sem_alloc : memref<!tpu.dma_semaphore, #tpu.memory_space<semaphore_mem>>
        %dma_start3A_402 = arith.constant 0 : i32
        %dma_start3A_403 = tpu.memref_slice %arg11[%dma_start3A_402] : memref<2048xi32, #tpu.memory_space<vmem>> -> memref<2048xi32, #tpu.memory_space<vmem>>
        %dma_start3A_404 = tpu.memref_slice %arg2[%add3A_145] : memref<3276800xi32, #tpu.memory_space<hbm>> -> memref<2048xi32, #tpu.memory_space<hbm>>
        %dma_start3A_405 = arith.constant 0 : i32
        %dma_start3A_406 = tpu.memref_slice %arg11[%dma_start3A_405] : memref<2048xi32, #tpu.memory_space<vmem>> -> memref<2048xi32, #tpu.memory_space<vmem>>
        %dma_start3A_407 = tpu.memref_slice %arg2[%add3A_145] : memref<3276800xi32, #tpu.memory_space<hbm>> -> memref<2048xi32, #tpu.memory_space<hbm>>
        tpu.enqueue_dma source(%dma_start3A_407 : memref<2048xi32, #tpu.memory_space<hbm>>) target(%dma_start3A_406 : memref<2048xi32, #tpu.memory_space<vmem>>) target_semaphore(%run_scoped3A : memref<!tpu.dma_semaphore, #tpu.memory_space<semaphore_mem>>)
        %dma_wait3A_408 = arith.constant 0 : i32
        %dma_wait3A_409 = tpu.memref_slice %arg11[%dma_wait3A_408] : memref<2048xi32, #tpu.memory_space<vmem>> -> memref<2048xi32, #tpu.memory_space<vmem>>
        %dma_wait3A_410 = tpu.memref_slice %arg2[%add3A_145] : memref<3276800xi32, #tpu.memory_space<hbm>> -> memref<2048xi32, #tpu.memory_space<hbm>>
        %dma_wait3A_411 = arith.constant 0 : i32
        %dma_wait3A_412 = tpu.memref_slice %arg11[%dma_wait3A_411] : memref<2048xi32, #tpu.memory_space<vmem>> -> memref<2048xi32, #tpu.memory_space<vmem>>
        %dma_wait3A_413 = tpu.memref_slice %arg2[%add3A_145] : memref<3276800xi32, #tpu.memory_space<hbm>> -> memref<2048xi32, #tpu.memory_space<hbm>>
        tpu.wait_dma2 semaphore(%run_scoped3A : memref<!tpu.dma_semaphore, #tpu.memory_space<semaphore_mem>>) src(%dma_wait3A_413 : memref<2048xi32, #tpu.memory_space<hbm>>) dst(%dma_wait3A_412 : memref<2048xi32, #tpu.memory_space<vmem>>)
        tpu.yield
      }) : () -> ()
      %dma_start3A_146 = arith.constant 0 : i32
      %dma_start3A_147 = arith.constant 0 : i32
      %dma_start3A_148 = tpu.memref_slice %arg12[%dma_start3A_146, %dma_start3A_147] : memref<2048x16xf32, #tpu.memory_space<vmem>> -> memref<128x16xf32, #tpu.memory_space<vmem>>
      %dma_start3A_149 = arith.constant 0 : i32
      %dma_start3A_150 = tpu.memref_slice %arg11[%dma_start3A_149] : memref<2048xi32, #tpu.memory_space<vmem>> -> memref<128xi32, #tpu.memory_space<vmem>>
      %dma_start3A_151 = arith.constant 0 : i32
      %dma_start3A_152 = arith.constant 0 : i32
      %dma_start3A_153 = tpu.memref_slice %arg3[%dma_start3A_151, %dma_start3A_152] : memref<1000001x16xf32, #tpu.memory_space<hbm>> -> memref<1000001x16xf32, #tpu.memory_space<hbm>>
      tpu.enqueue_indirect_dma source(%dma_start3A_153 : memref<1000001x16xf32, #tpu.memory_space<hbm>>) target(%dma_start3A_148 : memref<128x16xf32, #tpu.memory_space<vmem>>) offsets(%dma_start3A_150 : memref<128xi32, #tpu.memory_space<vmem>>) semaphore(%arg13 : memref<!tpu.dma_semaphore, #tpu.memory_space<semaphore_mem>>)
      %dma_start3A_154 = arith.constant 128 : i32
      %dma_start3A_155 = arith.constant 0 : i32
      %dma_start3A_156 = tpu.memref_slice %arg12[%dma_start3A_154, %dma_start3A_155] : memref<2048x16xf32, #tpu.memory_space<vmem>> -> memref<128x16xf32, #tpu.memory_space<vmem>>
      %dma_start3A_157 = arith.constant 128 : i32
      %dma_start3A_158 = tpu.memref_slice %arg11[%dma_start3A_157] : memref<2048xi32, #tpu.memory_space<vmem>> -> memref<128xi32, #tpu.memory_space<vmem>>
      %dma_start3A_159 = arith.constant 0 : i32
      %dma_start3A_160 = arith.constant 0 : i32
      %dma_start3A_161 = tpu.memref_slice %arg3[%dma_start3A_159, %dma_start3A_160] : memref<1000001x16xf32, #tpu.memory_space<hbm>> -> memref<1000001x16xf32, #tpu.memory_space<hbm>>
      tpu.enqueue_indirect_dma source(%dma_start3A_161 : memref<1000001x16xf32, #tpu.memory_space<hbm>>) target(%dma_start3A_156 : memref<128x16xf32, #tpu.memory_space<vmem>>) offsets(%dma_start3A_158 : memref<128xi32, #tpu.memory_space<vmem>>) semaphore(%arg13 : memref<!tpu.dma_semaphore, #tpu.memory_space<semaphore_mem>>)
      %dma_start3A_162 = arith.constant 256 : i32
      %dma_start3A_163 = arith.constant 0 : i32
      %dma_start3A_164 = tpu.memref_slice %arg12[%dma_start3A_162, %dma_start3A_163] : memref<2048x16xf32, #tpu.memory_space<vmem>> -> memref<128x16xf32, #tpu.memory_space<vmem>>
      %dma_start3A_165 = arith.constant 256 : i32
      %dma_start3A_166 = tpu.memref_slice %arg11[%dma_start3A_165] : memref<2048xi32, #tpu.memory_space<vmem>> -> memref<128xi32, #tpu.memory_space<vmem>>
      %dma_start3A_167 = arith.constant 0 : i32
      %dma_start3A_168 = arith.constant 0 : i32
      %dma_start3A_169 = tpu.memref_slice %arg3[%dma_start3A_167, %dma_start3A_168] : memref<1000001x16xf32, #tpu.memory_space<hbm>> -> memref<1000001x16xf32, #tpu.memory_space<hbm>>
      tpu.enqueue_indirect_dma source(%dma_start3A_169 : memref<1000001x16xf32, #tpu.memory_space<hbm>>) target(%dma_start3A_164 : memref<128x16xf32, #tpu.memory_space<vmem>>) offsets(%dma_start3A_166 : memref<128xi32, #tpu.memory_space<vmem>>) semaphore(%arg13 : memref<!tpu.dma_semaphore, #tpu.memory_space<semaphore_mem>>)
      %dma_start3A_170 = arith.constant 384 : i32
      %dma_start3A_171 = arith.constant 0 : i32
      %dma_start3A_172 = tpu.memref_slice %arg12[%dma_start3A_170, %dma_start3A_171] : memref<2048x16xf32, #tpu.memory_space<vmem>> -> memref<128x16xf32, #tpu.memory_space<vmem>>
      %dma_start3A_173 = arith.constant 384 : i32
      %dma_start3A_174 = tpu.memref_slice %arg11[%dma_start3A_173] : memref<2048xi32, #tpu.memory_space<vmem>> -> memref<128xi32, #tpu.memory_space<vmem>>
      %dma_start3A_175 = arith.constant 0 : i32
      %dma_start3A_176 = arith.constant 0 : i32
      %dma_start3A_177 = tpu.memref_slice %arg3[%dma_start3A_175, %dma_start3A_176] : memref<1000001x16xf32, #tpu.memory_space<hbm>> -> memref<1000001x16xf32, #tpu.memory_space<hbm>>
      tpu.enqueue_indirect_dma source(%dma_start3A_177 : memref<1000001x16xf32, #tpu.memory_space<hbm>>) target(%dma_start3A_172 : memref<128x16xf32, #tpu.memory_space<vmem>>) offsets(%dma_start3A_174 : memref<128xi32, #tpu.memory_space<vmem>>) semaphore(%arg13 : memref<!tpu.dma_semaphore, #tpu.memory_space<semaphore_mem>>)
      %dma_start3A_178 = arith.constant 512 : i32
      %dma_start3A_179 = arith.constant 0 : i32
      %dma_start3A_180 = tpu.memref_slice %arg12[%dma_start3A_178, %dma_start3A_179] : memref<2048x16xf32, #tpu.memory_space<vmem>> -> memref<128x16xf32, #tpu.memory_space<vmem>>
      %dma_start3A_181 = arith.constant 512 : i32
      %dma_start3A_182 = tpu.memref_slice %arg11[%dma_start3A_181] : memref<2048xi32, #tpu.memory_space<vmem>> -> memref<128xi32, #tpu.memory_space<vmem>>
      %dma_start3A_183 = arith.constant 0 : i32
      %dma_start3A_184 = arith.constant 0 : i32
      %dma_start3A_185 = tpu.memref_slice %arg3[%dma_start3A_183, %dma_start3A_184] : memref<1000001x16xf32, #tpu.memory_space<hbm>> -> memref<1000001x16xf32, #tpu.memory_space<hbm>>
      tpu.enqueue_indirect_dma source(%dma_start3A_185 : memref<1000001x16xf32, #tpu.memory_space<hbm>>) target(%dma_start3A_180 : memref<128x16xf32, #tpu.memory_space<vmem>>) offsets(%dma_start3A_182 : memref<128xi32, #tpu.memory_space<vmem>>) semaphore(%arg13 : memref<!tpu.dma_semaphore, #tpu.memory_space<semaphore_mem>>)
      %dma_start3A_186 = arith.constant 640 : i32
      %dma_start3A_187 = arith.constant 0 : i32
      %dma_start3A_188 = tpu.memref_slice %arg12[%dma_start3A_186, %dma_start3A_187] : memref<2048x16xf32, #tpu.memory_space<vmem>> -> memref<128x16xf32, #tpu.memory_space<vmem>>
      %dma_start3A_189 = arith.constant 640 : i32
      %dma_start3A_190 = tpu.memref_slice %arg11[%dma_start3A_189] : memref<2048xi32, #tpu.memory_space<vmem>> -> memref<128xi32, #tpu.memory_space<vmem>>
      %dma_start3A_191 = arith.constant 0 : i32
      %dma_start3A_192 = arith.constant 0 : i32
      %dma_start3A_193 = tpu.memref_slice %arg3[%dma_start3A_191, %dma_start3A_192] : memref<1000001x16xf32, #tpu.memory_space<hbm>> -> memref<1000001x16xf32, #tpu.memory_space<hbm>>
      tpu.enqueue_indirect_dma source(%dma_start3A_193 : memref<1000001x16xf32, #tpu.memory_space<hbm>>) target(%dma_start3A_188 : memref<128x16xf32, #tpu.memory_space<vmem>>) offsets(%dma_start3A_190 : memref<128xi32, #tpu.memory_space<vmem>>) semaphore(%arg13 : memref<!tpu.dma_semaphore, #tpu.memory_space<semaphore_mem>>)
      %dma_start3A_194 = arith.constant 768 : i32
      %dma_start3A_195 = arith.constant 0 : i32
      %dma_start3A_196 = tpu.memref_slice %arg12[%dma_start3A_194, %dma_start3A_195] : memref<2048x16xf32, #tpu.memory_space<vmem>> -> memref<128x16xf32, #tpu.memory_space<vmem>>
      %dma_start3A_197 = arith.constant 768 : i32
      %dma_start3A_198 = tpu.memref_slice %arg11[%dma_start3A_197] : memref<2048xi32, #tpu.memory_space<vmem>> -> memref<128xi32, #tpu.memory_space<vmem>>
      %dma_start3A_199 = arith.constant 0 : i32
      %dma_start3A_200 = arith.constant 0 : i32
      %dma_start3A_201 = tpu.memref_slice %arg3[%dma_start3A_199, %dma_start3A_200] : memref<1000001x16xf32, #tpu.memory_space<hbm>> -> memref<1000001x16xf32, #tpu.memory_space<hbm>>
      tpu.enqueue_indirect_dma source(%dma_start3A_201 : memref<1000001x16xf32, #tpu.memory_space<hbm>>) target(%dma_start3A_196 : memref<128x16xf32, #tpu.memory_space<vmem>>) offsets(%dma_start3A_198 : memref<128xi32, #tpu.memory_space<vmem>>) semaphore(%arg13 : memref<!tpu.dma_semaphore, #tpu.memory_space<semaphore_mem>>)
      %dma_start3A_202 = arith.constant 896 : i32
      %dma_start3A_203 = arith.constant 0 : i32
      %dma_start3A_204 = tpu.memref_slice %arg12[%dma_start3A_202, %dma_start3A_203] : memref<2048x16xf32, #tpu.memory_space<vmem>> -> memref<128x16xf32, #tpu.memory_space<vmem>>
      %dma_start3A_205 = arith.constant 896 : i32
      %dma_start3A_206 = tpu.memref_slice %arg11[%dma_start3A_205] : memref<2048xi32, #tpu.memory_space<vmem>> -> memref<128xi32, #tpu.memory_space<vmem>>
      %dma_start3A_207 = arith.constant 0 : i32
      %dma_start3A_208 = arith.constant 0 : i32
      %dma_start3A_209 = tpu.memref_slice %arg3[%dma_start3A_207, %dma_start3A_208] : memref<1000001x16xf32, #tpu.memory_space<hbm>> -> memref<1000001x16xf32, #tpu.memory_space<hbm>>
      tpu.enqueue_indirect_dma source(%dma_start3A_209 : memref<1000001x16xf32, #tpu.memory_space<hbm>>) target(%dma_start3A_204 : memref<128x16xf32, #tpu.memory_space<vmem>>) offsets(%dma_start3A_206 : memref<128xi32, #tpu.memory_space<vmem>>) semaphore(%arg13 : memref<!tpu.dma_semaphore, #tpu.memory_space<semaphore_mem>>)
      %dma_start3A_210 = arith.constant 1024 : i32
      %dma_start3A_211 = arith.constant 0 : i32
      %dma_start3A_212 = tpu.memref_slice %arg12[%dma_start3A_210, %dma_start3A_211] : memref<2048x16xf32, #tpu.memory_space<vmem>> -> memref<128x16xf32, #tpu.memory_space<vmem>>
      %dma_start3A_213 = arith.constant 1024 : i32
      %dma_start3A_214 = tpu.memref_slice %arg11[%dma_start3A_213] : memref<2048xi32, #tpu.memory_space<vmem>> -> memref<128xi32, #tpu.memory_space<vmem>>
      %dma_start3A_215 = arith.constant 0 : i32
      %dma_start3A_216 = arith.constant 0 : i32
      %dma_start3A_217 = tpu.memref_slice %arg3[%dma_start3A_215, %dma_start3A_216] : memref<1000001x16xf32, #tpu.memory_space<hbm>> -> memref<1000001x16xf32, #tpu.memory_space<hbm>>
      tpu.enqueue_indirect_dma source(%dma_start3A_217 : memref<1000001x16xf32, #tpu.memory_space<hbm>>) target(%dma_start3A_212 : memref<128x16xf32, #tpu.memory_space<vmem>>) offsets(%dma_start3A_214 : memref<128xi32, #tpu.memory_space<vmem>>) semaphore(%arg13 : memref<!tpu.dma_semaphore, #tpu.memory_space<semaphore_mem>>)
      %dma_start3A_218 = arith.constant 1152 : i32
      %dma_start3A_219 = arith.constant 0 : i32
      %dma_start3A_220 = tpu.memref_slice %arg12[%dma_start3A_218, %dma_start3A_219] : memref<2048x16xf32, #tpu.memory_space<vmem>> -> memref<128x16xf32, #tpu.memory_space<vmem>>
      %dma_start3A_221 = arith.constant 1152 : i32
      %dma_start3A_222 = tpu.memref_slice %arg11[%dma_start3A_221] : memref<2048xi32, #tpu.memory_space<vmem>> -> memref<128xi32, #tpu.memory_space<vmem>>
      %dma_start3A_223 = arith.constant 0 : i32
      %dma_start3A_224 = arith.constant 0 : i32
      %dma_start3A_225 = tpu.memref_slice %arg3[%dma_start3A_223, %dma_start3A_224] : memref<1000001x16xf32, #tpu.memory_space<hbm>> -> memref<1000001x16xf32, #tpu.memory_space<hbm>>
      tpu.enqueue_indirect_dma source(%dma_start3A_225 : memref<1000001x16xf32, #tpu.memory_space<hbm>>) target(%dma_start3A_220 : memref<128x16xf32, #tpu.memory_space<vmem>>) offsets(%dma_start3A_222 : memref<128xi32, #tpu.memory_space<vmem>>) semaphore(%arg13 : memref<!tpu.dma_semaphore, #tpu.memory_space<semaphore_mem>>)
      %dma_start3A_226 = arith.constant 1280 : i32
      %dma_start3A_227 = arith.constant 0 : i32
      %dma_start3A_228 = tpu.memref_slice %arg12[%dma_start3A_226, %dma_start3A_227] : memref<2048x16xf32, #tpu.memory_space<vmem>> -> memref<128x16xf32, #tpu.memory_space<vmem>>
      %dma_start3A_229 = arith.constant 1280 : i32
      %dma_start3A_230 = tpu.memref_slice %arg11[%dma_start3A_229] : memref<2048xi32, #tpu.memory_space<vmem>> -> memref<128xi32, #tpu.memory_space<vmem>>
      %dma_start3A_231 = arith.constant 0 : i32
      %dma_start3A_232 = arith.constant 0 : i32
      %dma_start3A_233 = tpu.memref_slice %arg3[%dma_start3A_231, %dma_start3A_232] : memref<1000001x16xf32, #tpu.memory_space<hbm>> -> memref<1000001x16xf32, #tpu.memory_space<hbm>>
      tpu.enqueue_indirect_dma source(%dma_start3A_233 : memref<1000001x16xf32, #tpu.memory_space<hbm>>) target(%dma_start3A_228 : memref<128x16xf32, #tpu.memory_space<vmem>>) offsets(%dma_start3A_230 : memref<128xi32, #tpu.memory_space<vmem>>) semaphore(%arg13 : memref<!tpu.dma_semaphore, #tpu.memory_space<semaphore_mem>>)
      %dma_start3A_234 = arith.constant 1408 : i32
      %dma_start3A_235 = arith.constant 0 : i32
      %dma_start3A_236 = tpu.memref_slice %arg12[%dma_start3A_234, %dma_start3A_235] : memref<2048x16xf32, #tpu.memory_space<vmem>> -> memref<128x16xf32, #tpu.memory_space<vmem>>
      %dma_start3A_237 = arith.constant 1408 : i32
      %dma_start3A_238 = tpu.memref_slice %arg11[%dma_start3A_237] : memref<2048xi32, #tpu.memory_space<vmem>> -> memref<128xi32, #tpu.memory_space<vmem>>
      %dma_start3A_239 = arith.constant 0 : i32
      %dma_start3A_240 = arith.constant 0 : i32
      %dma_start3A_241 = tpu.memref_slice %arg3[%dma_start3A_239, %dma_start3A_240] : memref<1000001x16xf32, #tpu.memory_space<hbm>> -> memref<1000001x16xf32, #tpu.memory_space<hbm>>
      tpu.enqueue_indirect_dma source(%dma_start3A_241 : memref<1000001x16xf32, #tpu.memory_space<hbm>>) target(%dma_start3A_236 : memref<128x16xf32, #tpu.memory_space<vmem>>) offsets(%dma_start3A_238 : memref<128xi32, #tpu.memory_space<vmem>>) semaphore(%arg13 : memref<!tpu.dma_semaphore, #tpu.memory_space<semaphore_mem>>)
      %dma_start3A_242 = arith.constant 1536 : i32
      %dma_start3A_243 = arith.constant 0 : i32
      %dma_start3A_244 = tpu.memref_slice %arg12[%dma_start3A_242, %dma_start3A_243] : memref<2048x16xf32, #tpu.memory_space<vmem>> -> memref<128x16xf32, #tpu.memory_space<vmem>>
      %dma_start3A_245 = arith.constant 1536 : i32
      %dma_start3A_246 = tpu.memref_slice %arg11[%dma_start3A_245] : memref<2048xi32, #tpu.memory_space<vmem>> -> memref<128xi32, #tpu.memory_space<vmem>>
      %dma_start3A_247 = arith.constant 0 : i32
      %dma_start3A_248 = arith.constant 0 : i32
      %dma_start3A_249 = tpu.memref_slice %arg3[%dma_start3A_247, %dma_start3A_248] : memref<1000001x16xf32, #tpu.memory_space<hbm>> -> memref<1000001x16xf32, #tpu.memory_space<hbm>>
      tpu.enqueue_indirect_dma source(%dma_start3A_249 : memref<1000001x16xf32, #tpu.memory_space<hbm>>) target(%dma_start3A_244 : memref<128x16xf32, #tpu.memory_space<vmem>>) offsets(%dma_start3A_246 : memref<128xi32, #tpu.memory_space<vmem>>) semaphore(%arg13 : memref<!tpu.dma_semaphore, #tpu.memory_space<semaphore_mem>>)
      %dma_start3A_250 = arith.constant 1664 : i32
      %dma_start3A_251 = arith.constant 0 : i32
      %dma_start3A_252 = tpu.memref_slice %arg12[%dma_start3A_250, %dma_start3A_251] : memref<2048x16xf32, #tpu.memory_space<vmem>> -> memref<128x16xf32, #tpu.memory_space<vmem>>
      %dma_start3A_253 = arith.constant 1664 : i32
      %dma_start3A_254 = tpu.memref_slice %arg11[%dma_start3A_253] : memref<2048xi32, #tpu.memory_space<vmem>> -> memref<128xi32, #tpu.memory_space<vmem>>
      %dma_start3A_255 = arith.constant 0 : i32
      %dma_start3A_256 = arith.constant 0 : i32
      %dma_start3A_257 = tpu.memref_slice %arg3[%dma_start3A_255, %dma_start3A_256] : memref<1000001x16xf32, #tpu.memory_space<hbm>> -> memref<1000001x16xf32, #tpu.memory_space<hbm>>
      tpu.enqueue_indirect_dma source(%dma_start3A_257 : memref<1000001x16xf32, #tpu.memory_space<hbm>>) target(%dma_start3A_252 : memref<128x16xf32, #tpu.memory_space<vmem>>) offsets(%dma_start3A_254 : memref<128xi32, #tpu.memory_space<vmem>>) semaphore(%arg13 : memref<!tpu.dma_semaphore, #tpu.memory_space<semaphore_mem>>)
      %dma_start3A_258 = arith.constant 1792 : i32
      %dma_start3A_259 = arith.constant 0 : i32
      %dma_start3A_260 = tpu.memref_slice %arg12[%dma_start3A_258, %dma_start3A_259] : memref<2048x16xf32, #tpu.memory_space<vmem>> -> memref<128x16xf32, #tpu.memory_space<vmem>>
      %dma_start3A_261 = arith.constant 1792 : i32
      %dma_start3A_262 = tpu.memref_slice %arg11[%dma_start3A_261] : memref<2048xi32, #tpu.memory_space<vmem>> -> memref<128xi32, #tpu.memory_space<vmem>>
      %dma_start3A_263 = arith.constant 0 : i32
      %dma_start3A_264 = arith.constant 0 : i32
      %dma_start3A_265 = tpu.memref_slice %arg3[%dma_start3A_263, %dma_start3A_264] : memref<1000001x16xf32, #tpu.memory_space<hbm>> -> memref<1000001x16xf32, #tpu.memory_space<hbm>>
      tpu.enqueue_indirect_dma source(%dma_start3A_265 : memref<1000001x16xf32, #tpu.memory_space<hbm>>) target(%dma_start3A_260 : memref<128x16xf32, #tpu.memory_space<vmem>>) offsets(%dma_start3A_262 : memref<128xi32, #tpu.memory_space<vmem>>) semaphore(%arg13 : memref<!tpu.dma_semaphore, #tpu.memory_space<semaphore_mem>>)
      %dma_start3A_266 = arith.constant 1920 : i32
      %dma_start3A_267 = arith.constant 0 : i32
      %dma_start3A_268 = tpu.memref_slice %arg12[%dma_start3A_266, %dma_start3A_267] : memref<2048x16xf32, #tpu.memory_space<vmem>> -> memref<128x16xf32, #tpu.memory_space<vmem>>
      %dma_start3A_269 = arith.constant 1920 : i32
      %dma_start3A_270 = tpu.memref_slice %arg11[%dma_start3A_269] : memref<2048xi32, #tpu.memory_space<vmem>> -> memref<128xi32, #tpu.memory_space<vmem>>
      %dma_start3A_271 = arith.constant 0 : i32
      %dma_start3A_272 = arith.constant 0 : i32
      %dma_start3A_273 = tpu.memref_slice %arg3[%dma_start3A_271, %dma_start3A_272] : memref<1000001x16xf32, #tpu.memory_space<hbm>> -> memref<1000001x16xf32, #tpu.memory_space<hbm>>
      tpu.enqueue_indirect_dma source(%dma_start3A_273 : memref<1000001x16xf32, #tpu.memory_space<hbm>>) target(%dma_start3A_268 : memref<128x16xf32, #tpu.memory_space<vmem>>) offsets(%dma_start3A_270 : memref<128xi32, #tpu.memory_space<vmem>>) semaphore(%arg13 : memref<!tpu.dma_semaphore, #tpu.memory_space<semaphore_mem>>)
      %dma_wait3A_274 = arith.constant 0 : i32
      %dma_wait3A_275 = arith.constant 0 : i32
      %dma_wait3A_276 = tpu.memref_slice %arg12[%dma_wait3A_274, %dma_wait3A_275] : memref<2048x16xf32, #tpu.memory_space<vmem>> -> memref<128x16xf32, #tpu.memory_space<vmem>>
      %dma_wait3A_277 = arith.constant 0 : i32
      %dma_wait3A_278 = tpu.memref_slice %arg11[%dma_wait3A_277] : memref<2048xi32, #tpu.memory_space<vmem>> -> memref<128xi32, #tpu.memory_space<vmem>>
      %dma_wait3A_279 = arith.constant 0 : i32
      %dma_wait3A_280 = arith.constant 0 : i32
      %dma_wait3A_281 = tpu.memref_slice %arg3[%dma_wait3A_279, %dma_wait3A_280] : memref<1000001x16xf32, #tpu.memory_space<hbm>> -> memref<1000001x16xf32, #tpu.memory_space<hbm>>
      tpu.wait_indirect_dma semaphore(%arg13 : memref<!tpu.dma_semaphore, #tpu.memory_space<semaphore_mem>>) src(%dma_wait3A_281 : memref<1000001x16xf32, #tpu.memory_space<hbm>>) dst(%dma_wait3A_276 : memref<128x16xf32, #tpu.memory_space<vmem>>)
      %dma_wait3A_282 = arith.constant 128 : i32
      %dma_wait3A_283 = arith.constant 0 : i32
      %dma_wait3A_284 = tpu.memref_slice %arg12[%dma_wait3A_282, %dma_wait3A_283] : memref<2048x16xf32, #tpu.memory_space<vmem>> -> memref<128x16xf32, #tpu.memory_space<vmem>>
      %dma_wait3A_285 = arith.constant 128 : i32
      %dma_wait3A_286 = tpu.memref_slice %arg11[%dma_wait3A_285] : memref<2048xi32, #tpu.memory_space<vmem>> -> memref<128xi32, #tpu.memory_space<vmem>>
      %dma_wait3A_287 = arith.constant 0 : i32
      %dma_wait3A_288 = arith.constant 0 : i32
      %dma_wait3A_289 = tpu.memref_slice %arg3[%dma_wait3A_287, %dma_wait3A_288] : memref<1000001x16xf32, #tpu.memory_space<hbm>> -> memref<1000001x16xf32, #tpu.memory_space<hbm>>
      tpu.wait_indirect_dma semaphore(%arg13 : memref<!tpu.dma_semaphore, #tpu.memory_space<semaphore_mem>>) src(%dma_wait3A_289 : memref<1000001x16xf32, #tpu.memory_space<hbm>>) dst(%dma_wait3A_284 : memref<128x16xf32, #tpu.memory_space<vmem>>)
      %dma_wait3A_290 = arith.constant 256 : i32
      %dma_wait3A_291 = arith.constant 0 : i32
      %dma_wait3A_292 = tpu.memref_slice %arg12[%dma_wait3A_290, %dma_wait3A_291] : memref<2048x16xf32, #tpu.memory_space<vmem>> -> memref<128x16xf32, #tpu.memory_space<vmem>>
      %dma_wait3A_293 = arith.constant 256 : i32
      %dma_wait3A_294 = tpu.memref_slice %arg11[%dma_wait3A_293] : memref<2048xi32, #tpu.memory_space<vmem>> -> memref<128xi32, #tpu.memory_space<vmem>>
      %dma_wait3A_295 = arith.constant 0 : i32
      %dma_wait3A_296 = arith.constant 0 : i32
      %dma_wait3A_297 = tpu.memref_slice %arg3[%dma_wait3A_295, %dma_wait3A_296] : memref<1000001x16xf32, #tpu.memory_space<hbm>> -> memref<1000001x16xf32, #tpu.memory_space<hbm>>
      tpu.wait_indirect_dma semaphore(%arg13 : memref<!tpu.dma_semaphore, #tpu.memory_space<semaphore_mem>>) src(%dma_wait3A_297 : memref<1000001x16xf32, #tpu.memory_space<hbm>>) dst(%dma_wait3A_292 : memref<128x16xf32, #tpu.memory_space<vmem>>)
      %dma_wait3A_298 = arith.constant 384 : i32
      %dma_wait3A_299 = arith.constant 0 : i32
      %dma_wait3A_300 = tpu.memref_slice %arg12[%dma_wait3A_298, %dma_wait3A_299] : memref<2048x16xf32, #tpu.memory_space<vmem>> -> memref<128x16xf32, #tpu.memory_space<vmem>>
      %dma_wait3A_301 = arith.constant 384 : i32
      %dma_wait3A_302 = tpu.memref_slice %arg11[%dma_wait3A_301] : memref<2048xi32, #tpu.memory_space<vmem>> -> memref<128xi32, #tpu.memory_space<vmem>>
      %dma_wait3A_303 = arith.constant 0 : i32
      %dma_wait3A_304 = arith.constant 0 : i32
      %dma_wait3A_305 = tpu.memref_slice %arg3[%dma_wait3A_303, %dma_wait3A_304] : memref<1000001x16xf32, #tpu.memory_space<hbm>> -> memref<1000001x16xf32, #tpu.memory_space<hbm>>
      tpu.wait_indirect_dma semaphore(%arg13 : memref<!tpu.dma_semaphore, #tpu.memory_space<semaphore_mem>>) src(%dma_wait3A_305 : memref<1000001x16xf32, #tpu.memory_space<hbm>>) dst(%dma_wait3A_300 : memref<128x16xf32, #tpu.memory_space<vmem>>)
      %dma_wait3A_306 = arith.constant 512 : i32
      %dma_wait3A_307 = arith.constant 0 : i32
      %dma_wait3A_308 = tpu.memref_slice %arg12[%dma_wait3A_306, %dma_wait3A_307] : memref<2048x16xf32, #tpu.memory_space<vmem>> -> memref<128x16xf32, #tpu.memory_space<vmem>>
      %dma_wait3A_309 = arith.constant 512 : i32
      %dma_wait3A_310 = tpu.memref_slice %arg11[%dma_wait3A_309] : memref<2048xi32, #tpu.memory_space<vmem>> -> memref<128xi32, #tpu.memory_space<vmem>>
      %dma_wait3A_311 = arith.constant 0 : i32
      %dma_wait3A_312 = arith.constant 0 : i32
      %dma_wait3A_313 = tpu.memref_slice %arg3[%dma_wait3A_311, %dma_wait3A_312] : memref<1000001x16xf32, #tpu.memory_space<hbm>> -> memref<1000001x16xf32, #tpu.memory_space<hbm>>
      tpu.wait_indirect_dma semaphore(%arg13 : memref<!tpu.dma_semaphore, #tpu.memory_space<semaphore_mem>>) src(%dma_wait3A_313 : memref<1000001x16xf32, #tpu.memory_space<hbm>>) dst(%dma_wait3A_308 : memref<128x16xf32, #tpu.memory_space<vmem>>)
      %dma_wait3A_314 = arith.constant 640 : i32
      %dma_wait3A_315 = arith.constant 0 : i32
      %dma_wait3A_316 = tpu.memref_slice %arg12[%dma_wait3A_314, %dma_wait3A_315] : memref<2048x16xf32, #tpu.memory_space<vmem>> -> memref<128x16xf32, #tpu.memory_space<vmem>>
      %dma_wait3A_317 = arith.constant 640 : i32
      %dma_wait3A_318 = tpu.memref_slice %arg11[%dma_wait3A_317] : memref<2048xi32, #tpu.memory_space<vmem>> -> memref<128xi32, #tpu.memory_space<vmem>>
      %dma_wait3A_319 = arith.constant 0 : i32
      %dma_wait3A_320 = arith.constant 0 : i32
      %dma_wait3A_321 = tpu.memref_slice %arg3[%dma_wait3A_319, %dma_wait3A_320] : memref<1000001x16xf32, #tpu.memory_space<hbm>> -> memref<1000001x16xf32, #tpu.memory_space<hbm>>
      tpu.wait_indirect_dma semaphore(%arg13 : memref<!tpu.dma_semaphore, #tpu.memory_space<semaphore_mem>>) src(%dma_wait3A_321 : memref<1000001x16xf32, #tpu.memory_space<hbm>>) dst(%dma_wait3A_316 : memref<128x16xf32, #tpu.memory_space<vmem>>)
      %dma_wait3A_322 = arith.constant 768 : i32
      %dma_wait3A_323 = arith.constant 0 : i32
      %dma_wait3A_324 = tpu.memref_slice %arg12[%dma_wait3A_322, %dma_wait3A_323] : memref<2048x16xf32, #tpu.memory_space<vmem>> -> memref<128x16xf32, #tpu.memory_space<vmem>>
      %dma_wait3A_325 = arith.constant 768 : i32
      %dma_wait3A_326 = tpu.memref_slice %arg11[%dma_wait3A_325] : memref<2048xi32, #tpu.memory_space<vmem>> -> memref<128xi32, #tpu.memory_space<vmem>>
      %dma_wait3A_327 = arith.constant 0 : i32
      %dma_wait3A_328 = arith.constant 0 : i32
      %dma_wait3A_329 = tpu.memref_slice %arg3[%dma_wait3A_327, %dma_wait3A_328] : memref<1000001x16xf32, #tpu.memory_space<hbm>> -> memref<1000001x16xf32, #tpu.memory_space<hbm>>
      tpu.wait_indirect_dma semaphore(%arg13 : memref<!tpu.dma_semaphore, #tpu.memory_space<semaphore_mem>>) src(%dma_wait3A_329 : memref<1000001x16xf32, #tpu.memory_space<hbm>>) dst(%dma_wait3A_324 : memref<128x16xf32, #tpu.memory_space<vmem>>)
      %dma_wait3A_330 = arith.constant 896 : i32
      %dma_wait3A_331 = arith.constant 0 : i32
      %dma_wait3A_332 = tpu.memref_slice %arg12[%dma_wait3A_330, %dma_wait3A_331] : memref<2048x16xf32, #tpu.memory_space<vmem>> -> memref<128x16xf32, #tpu.memory_space<vmem>>
      %dma_wait3A_333 = arith.constant 896 : i32
      %dma_wait3A_334 = tpu.memref_slice %arg11[%dma_wait3A_333] : memref<2048xi32, #tpu.memory_space<vmem>> -> memref<128xi32, #tpu.memory_space<vmem>>
      %dma_wait3A_335 = arith.constant 0 : i32
      %dma_wait3A_336 = arith.constant 0 : i32
      %dma_wait3A_337 = tpu.memref_slice %arg3[%dma_wait3A_335, %dma_wait3A_336] : memref<1000001x16xf32, #tpu.memory_space<hbm>> -> memref<1000001x16xf32, #tpu.memory_space<hbm>>
      tpu.wait_indirect_dma semaphore(%arg13 : memref<!tpu.dma_semaphore, #tpu.memory_space<semaphore_mem>>) src(%dma_wait3A_337 : memref<1000001x16xf32, #tpu.memory_space<hbm>>) dst(%dma_wait3A_332 : memref<128x16xf32, #tpu.memory_space<vmem>>)
      %dma_wait3A_338 = arith.constant 1024 : i32
      %dma_wait3A_339 = arith.constant 0 : i32
      %dma_wait3A_340 = tpu.memref_slice %arg12[%dma_wait3A_338, %dma_wait3A_339] : memref<2048x16xf32, #tpu.memory_space<vmem>> -> memref<128x16xf32, #tpu.memory_space<vmem>>
      %dma_wait3A_341 = arith.constant 1024 : i32
      %dma_wait3A_342 = tpu.memref_slice %arg11[%dma_wait3A_341] : memref<2048xi32, #tpu.memory_space<vmem>> -> memref<128xi32, #tpu.memory_space<vmem>>
      %dma_wait3A_343 = arith.constant 0 : i32
      %dma_wait3A_344 = arith.constant 0 : i32
      %dma_wait3A_345 = tpu.memref_slice %arg3[%dma_wait3A_343, %dma_wait3A_344] : memref<1000001x16xf32, #tpu.memory_space<hbm>> -> memref<1000001x16xf32, #tpu.memory_space<hbm>>
      tpu.wait_indirect_dma semaphore(%arg13 : memref<!tpu.dma_semaphore, #tpu.memory_space<semaphore_mem>>) src(%dma_wait3A_345 : memref<1000001x16xf32, #tpu.memory_space<hbm>>) dst(%dma_wait3A_340 : memref<128x16xf32, #tpu.memory_space<vmem>>)
      %dma_wait3A_346 = arith.constant 1152 : i32
      %dma_wait3A_347 = arith.constant 0 : i32
      %dma_wait3A_348 = tpu.memref_slice %arg12[%dma_wait3A_346, %dma_wait3A_347] : memref<2048x16xf32, #tpu.memory_space<vmem>> -> memref<128x16xf32, #tpu.memory_space<vmem>>
      %dma_wait3A_349 = arith.constant 1152 : i32
      %dma_wait3A_350 = tpu.memref_slice %arg11[%dma_wait3A_349] : memref<2048xi32, #tpu.memory_space<vmem>> -> memref<128xi32, #tpu.memory_space<vmem>>
      %dma_wait3A_351 = arith.constant 0 : i32
      %dma_wait3A_352 = arith.constant 0 : i32
      %dma_wait3A_353 = tpu.memref_slice %arg3[%dma_wait3A_351, %dma_wait3A_352] : memref<1000001x16xf32, #tpu.memory_space<hbm>> -> memref<1000001x16xf32, #tpu.memory_space<hbm>>
      tpu.wait_indirect_dma semaphore(%arg13 : memref<!tpu.dma_semaphore, #tpu.memory_space<semaphore_mem>>) src(%dma_wait3A_353 : memref<1000001x16xf32, #tpu.memory_space<hbm>>) dst(%dma_wait3A_348 : memref<128x16xf32, #tpu.memory_space<vmem>>)
      %dma_wait3A_354 = arith.constant 1280 : i32
      %dma_wait3A_355 = arith.constant 0 : i32
      %dma_wait3A_356 = tpu.memref_slice %arg12[%dma_wait3A_354, %dma_wait3A_355] : memref<2048x16xf32, #tpu.memory_space<vmem>> -> memref<128x16xf32, #tpu.memory_space<vmem>>
      %dma_wait3A_357 = arith.constant 1280 : i32
      %dma_wait3A_358 = tpu.memref_slice %arg11[%dma_wait3A_357] : memref<2048xi32, #tpu.memory_space<vmem>> -> memref<128xi32, #tpu.memory_space<vmem>>
      %dma_wait3A_359 = arith.constant 0 : i32
      %dma_wait3A_360 = arith.constant 0 : i32
      %dma_wait3A_361 = tpu.memref_slice %arg3[%dma_wait3A_359, %dma_wait3A_360] : memref<1000001x16xf32, #tpu.memory_space<hbm>> -> memref<1000001x16xf32, #tpu.memory_space<hbm>>
      tpu.wait_indirect_dma semaphore(%arg13 : memref<!tpu.dma_semaphore, #tpu.memory_space<semaphore_mem>>) src(%dma_wait3A_361 : memref<1000001x16xf32, #tpu.memory_space<hbm>>) dst(%dma_wait3A_356 : memref<128x16xf32, #tpu.memory_space<vmem>>)
      %dma_wait3A_362 = arith.constant 1408 : i32
      %dma_wait3A_363 = arith.constant 0 : i32
      %dma_wait3A_364 = tpu.memref_slice %arg12[%dma_wait3A_362, %dma_wait3A_363] : memref<2048x16xf32, #tpu.memory_space<vmem>> -> memref<128x16xf32, #tpu.memory_space<vmem>>
      %dma_wait3A_365 = arith.constant 1408 : i32
      %dma_wait3A_366 = tpu.memref_slice %arg11[%dma_wait3A_365] : memref<2048xi32, #tpu.memory_space<vmem>> -> memref<128xi32, #tpu.memory_space<vmem>>
      %dma_wait3A_367 = arith.constant 0 : i32
      %dma_wait3A_368 = arith.constant 0 : i32
      %dma_wait3A_369 = tpu.memref_slice %arg3[%dma_wait3A_367, %dma_wait3A_368] : memref<1000001x16xf32, #tpu.memory_space<hbm>> -> memref<1000001x16xf32, #tpu.memory_space<hbm>>
      tpu.wait_indirect_dma semaphore(%arg13 : memref<!tpu.dma_semaphore, #tpu.memory_space<semaphore_mem>>) src(%dma_wait3A_369 : memref<1000001x16xf32, #tpu.memory_space<hbm>>) dst(%dma_wait3A_364 : memref<128x16xf32, #tpu.memory_space<vmem>>)
      %dma_wait3A_370 = arith.constant 1536 : i32
      %dma_wait3A_371 = arith.constant 0 : i32
      %dma_wait3A_372 = tpu.memref_slice %arg12[%dma_wait3A_370, %dma_wait3A_371] : memref<2048x16xf32, #tpu.memory_space<vmem>> -> memref<128x16xf32, #tpu.memory_space<vmem>>
      %dma_wait3A_373 = arith.constant 1536 : i32
      %dma_wait3A_374 = tpu.memref_slice %arg11[%dma_wait3A_373] : memref<2048xi32, #tpu.memory_space<vmem>> -> memref<128xi32, #tpu.memory_space<vmem>>
      %dma_wait3A_375 = arith.constant 0 : i32
      %dma_wait3A_376 = arith.constant 0 : i32
      %dma_wait3A_377 = tpu.memref_slice %arg3[%dma_wait3A_375, %dma_wait3A_376] : memref<1000001x16xf32, #tpu.memory_space<hbm>> -> memref<1000001x16xf32, #tpu.memory_space<hbm>>
      tpu.wait_indirect_dma semaphore(%arg13 : memref<!tpu.dma_semaphore, #tpu.memory_space<semaphore_mem>>) src(%dma_wait3A_377 : memref<1000001x16xf32, #tpu.memory_space<hbm>>) dst(%dma_wait3A_372 : memref<128x16xf32, #tpu.memory_space<vmem>>)
      %dma_wait3A_378 = arith.constant 1664 : i32
      %dma_wait3A_379 = arith.constant 0 : i32
      %dma_wait3A_380 = tpu.memref_slice %arg12[%dma_wait3A_378, %dma_wait3A_379] : memref<2048x16xf32, #tpu.memory_space<vmem>> -> memref<128x16xf32, #tpu.memory_space<vmem>>
      %dma_wait3A_381 = arith.constant 1664 : i32
      %dma_wait3A_382 = tpu.memref_slice %arg11[%dma_wait3A_381] : memref<2048xi32, #tpu.memory_space<vmem>> -> memref<128xi32, #tpu.memory_space<vmem>>
      %dma_wait3A_383 = arith.constant 0 : i32
      %dma_wait3A_384 = arith.constant 0 : i32
      %dma_wait3A_385 = tpu.memref_slice %arg3[%dma_wait3A_383, %dma_wait3A_384] : memref<1000001x16xf32, #tpu.memory_space<hbm>> -> memref<1000001x16xf32, #tpu.memory_space<hbm>>
      tpu.wait_indirect_dma semaphore(%arg13 : memref<!tpu.dma_semaphore, #tpu.memory_space<semaphore_mem>>) src(%dma_wait3A_385 : memref<1000001x16xf32, #tpu.memory_space<hbm>>) dst(%dma_wait3A_380 : memref<128x16xf32, #tpu.memory_space<vmem>>)
      %dma_wait3A_386 = arith.constant 1792 : i32
      %dma_wait3A_387 = arith.constant 0 : i32
      %dma_wait3A_388 = tpu.memref_slice %arg12[%dma_wait3A_386, %dma_wait3A_387] : memref<2048x16xf32, #tpu.memory_space<vmem>> -> memref<128x16xf32, #tpu.memory_space<vmem>>
      %dma_wait3A_389 = arith.constant 1792 : i32
      %dma_wait3A_390 = tpu.memref_slice %arg11[%dma_wait3A_389] : memref<2048xi32, #tpu.memory_space<vmem>> -> memref<128xi32, #tpu.memory_space<vmem>>
      %dma_wait3A_391 = arith.constant 0 : i32
      %dma_wait3A_392 = arith.constant 0 : i32
      %dma_wait3A_393 = tpu.memref_slice %arg3[%dma_wait3A_391, %dma_wait3A_392] : memref<1000001x16xf32, #tpu.memory_space<hbm>> -> memref<1000001x16xf32, #tpu.memory_space<hbm>>
      tpu.wait_indirect_dma semaphore(%arg13 : memref<!tpu.dma_semaphore, #tpu.memory_space<semaphore_mem>>) src(%dma_wait3A_393 : memref<1000001x16xf32, #tpu.memory_space<hbm>>) dst(%dma_wait3A_388 : memref<128x16xf32, #tpu.memory_space<vmem>>)
      %dma_wait3A_394 = arith.constant 1920 : i32
      %dma_wait3A_395 = arith.constant 0 : i32
      %dma_wait3A_396 = tpu.memref_slice %arg12[%dma_wait3A_394, %dma_wait3A_395] : memref<2048x16xf32, #tpu.memory_space<vmem>> -> memref<128x16xf32, #tpu.memory_space<vmem>>
      %dma_wait3A_397 = arith.constant 1920 : i32
      %dma_wait3A_398 = tpu.memref_slice %arg11[%dma_wait3A_397] : memref<2048xi32, #tpu.memory_space<vmem>> -> memref<128xi32, #tpu.memory_space<vmem>>
      %dma_wait3A_399 = arith.constant 0 : i32
      %dma_wait3A_400 = arith.constant 0 : i32
      %dma_wait3A_401 = tpu.memref_slice %arg3[%dma_wait3A_399, %dma_wait3A_400] : memref<1000001x16xf32, #tpu.memory_space<hbm>> -> memref<1000001x16xf32, #tpu.memory_space<hbm>>
      tpu.wait_indirect_dma semaphore(%arg13 : memref<!tpu.dma_semaphore, #tpu.memory_space<semaphore_mem>>) src(%dma_wait3A_401 : memref<1000001x16xf32, #tpu.memory_space<hbm>>) dst(%dma_wait3A_396 : memref<128x16xf32, #tpu.memory_space<vmem>>)
      "tpu.region"() ({
        %run_scoped3A = tpu.sem_alloc : memref<!tpu.dma_semaphore, #tpu.memory_space<semaphore_mem>>
        %dma_start3A_402 = arith.constant 0 : i32
        %dma_start3A_403 = tpu.memref_slice %arg8[%add3A_145, %dma_start3A_402] : memref<3276800x16xf32, #tpu.memory_space<hbm>> -> memref<2048x16xf32, #tpu.memory_space<hbm>>
        %dma_start3A_404 = arith.constant 0 : i32
        %dma_start3A_405 = tpu.memref_slice %arg8[%add3A_145, %dma_start3A_404] : memref<3276800x16xf32, #tpu.memory_space<hbm>> -> memref<2048x16xf32, #tpu.memory_space<hbm>>
        tpu.enqueue_dma source(%arg12 : memref<2048x16xf32, #tpu.memory_space<vmem>>) target(%dma_start3A_405 : memref<2048x16xf32, #tpu.memory_space<hbm>>) target_semaphore(%run_scoped3A : memref<!tpu.dma_semaphore, #tpu.memory_space<semaphore_mem>>)
        %dma_wait3A_406 = arith.constant 0 : i32
        %dma_wait3A_407 = tpu.memref_slice %arg8[%add3A_145, %dma_wait3A_406] : memref<3276800x16xf32, #tpu.memory_space<hbm>> -> memref<2048x16xf32, #tpu.memory_space<hbm>>
        %dma_wait3A_408 = arith.constant 0 : i32
        %dma_wait3A_409 = tpu.memref_slice %arg8[%add3A_145, %dma_wait3A_408] : memref<3276800x16xf32, #tpu.memory_space<hbm>> -> memref<2048x16xf32, #tpu.memory_space<hbm>>
        tpu.wait_dma2 semaphore(%run_scoped3A : memref<!tpu.dma_semaphore, #tpu.memory_space<semaphore_mem>>) src(%arg12 : memref<2048x16xf32, #tpu.memory_space<vmem>>) dst(%dma_wait3A_409 : memref<2048x16xf32, #tpu.memory_space<hbm>>)
        tpu.yield
      }) : () -> ()
    }
    %scan3A_7 = arith.constant 50 : i32
    %mul3A_8 = arith.constant 512 : i32
    %mul3A_9 = arith.muli %add3A, %mul3A_8 : i32
    "tpu.region"() ({
      %run_scoped3A = tpu.sem_alloc : memref<!tpu.dma_semaphore, #tpu.memory_space<semaphore_mem>>
      %dma_start3A_142 = arith.constant 0 : i32
      %dma_start3A_143 = tpu.memref_slice %arg11[%dma_start3A_142] : memref<2048xi32, #tpu.memory_space<vmem>> -> memref<512xi32, #tpu.memory_space<vmem>>
      %dma_start3A_144 = tpu.memref_slice %arg4[%mul3A_9] : memref<16384xi32, #tpu.memory_space<hbm>> -> memref<512xi32, #tpu.memory_space<hbm>>
      %dma_start3A_145 = arith.constant 0 : i32
      %dma_start3A_146 = tpu.memref_slice %arg11[%dma_start3A_145] : memref<2048xi32, #tpu.memory_space<vmem>> -> memref<512xi32, #tpu.memory_space<vmem>>
      %dma_start3A_147 = tpu.memref_slice %arg4[%mul3A_9] : memref<16384xi32, #tpu.memory_space<hbm>> -> memref<512xi32, #tpu.memory_space<hbm>>
      tpu.enqueue_dma source(%dma_start3A_147 : memref<512xi32, #tpu.memory_space<hbm>>) target(%dma_start3A_146 : memref<512xi32, #tpu.memory_space<vmem>>) target_semaphore(%run_scoped3A : memref<!tpu.dma_semaphore, #tpu.memory_space<semaphore_mem>>)
      %dma_wait3A_148 = arith.constant 0 : i32
      %dma_wait3A_149 = tpu.memref_slice %arg11[%dma_wait3A_148] : memref<2048xi32, #tpu.memory_space<vmem>> -> memref<512xi32, #tpu.memory_space<vmem>>
      %dma_wait3A_150 = tpu.memref_slice %arg4[%mul3A_9] : memref<16384xi32, #tpu.memory_space<hbm>> -> memref<512xi32, #tpu.memory_space<hbm>>
      %dma_wait3A_151 = arith.constant 0 : i32
      %dma_wait3A_152 = tpu.memref_slice %arg11[%dma_wait3A_151] : memref<2048xi32, #tpu.memory_space<vmem>> -> memref<512xi32, #tpu.memory_space<vmem>>
      %dma_wait3A_153 = tpu.memref_slice %arg4[%mul3A_9] : memref<16384xi32, #tpu.memory_space<hbm>> -> memref<512xi32, #tpu.memory_space<hbm>>
      tpu.wait_dma2 semaphore(%run_scoped3A : memref<!tpu.dma_semaphore, #tpu.memory_space<semaphore_mem>>) src(%dma_wait3A_153 : memref<512xi32, #tpu.memory_space<hbm>>) dst(%dma_wait3A_152 : memref<512xi32, #tpu.memory_space<vmem>>)
      tpu.yield
    }) : () -> ()
    %dma_start3A = arith.constant 0 : i32
    %dma_start3A_10 = arith.constant 0 : i32
    %dma_start3A_11 = tpu.memref_slice %arg12[%dma_start3A, %dma_start3A_10] : memref<2048x16xf32, #tpu.memory_space<vmem>> -> memref<128x16xf32, #tpu.memory_space<vmem>>
    %dma_start3A_12 = arith.constant 0 : i32
    %dma_start3A_13 = tpu.memref_slice %arg11[%dma_start3A_12] : memref<2048xi32, #tpu.memory_space<vmem>> -> memref<128xi32, #tpu.memory_space<vmem>>
    %dma_start3A_14 = arith.constant 0 : i32
    %dma_start3A_15 = arith.constant 0 : i32
    %dma_start3A_16 = tpu.memref_slice %arg5[%dma_start3A_14, %dma_start3A_15] : memref<1000000x16xf32, #tpu.memory_space<hbm>> -> memref<1000000x16xf32, #tpu.memory_space<hbm>>
    tpu.enqueue_indirect_dma source(%dma_start3A_16 : memref<1000000x16xf32, #tpu.memory_space<hbm>>) target(%dma_start3A_11 : memref<128x16xf32, #tpu.memory_space<vmem>>) offsets(%dma_start3A_13 : memref<128xi32, #tpu.memory_space<vmem>>) semaphore(%arg13 : memref<!tpu.dma_semaphore, #tpu.memory_space<semaphore_mem>>)
    %dma_start3A_17 = arith.constant 128 : i32
    %dma_start3A_18 = arith.constant 0 : i32
    %dma_start3A_19 = tpu.memref_slice %arg12[%dma_start3A_17, %dma_start3A_18] : memref<2048x16xf32, #tpu.memory_space<vmem>> -> memref<128x16xf32, #tpu.memory_space<vmem>>
    %dma_start3A_20 = arith.constant 128 : i32
    %dma_start3A_21 = tpu.memref_slice %arg11[%dma_start3A_20] : memref<2048xi32, #tpu.memory_space<vmem>> -> memref<128xi32, #tpu.memory_space<vmem>>
    %dma_start3A_22 = arith.constant 0 : i32
    %dma_start3A_23 = arith.constant 0 : i32
    %dma_start3A_24 = tpu.memref_slice %arg5[%dma_start3A_22, %dma_start3A_23] : memref<1000000x16xf32, #tpu.memory_space<hbm>> -> memref<1000000x16xf32, #tpu.memory_space<hbm>>
    tpu.enqueue_indirect_dma source(%dma_start3A_24 : memref<1000000x16xf32, #tpu.memory_space<hbm>>) target(%dma_start3A_19 : memref<128x16xf32, #tpu.memory_space<vmem>>) offsets(%dma_start3A_21 : memref<128xi32, #tpu.memory_space<vmem>>) semaphore(%arg13 : memref<!tpu.dma_semaphore, #tpu.memory_space<semaphore_mem>>)
    %dma_start3A_25 = arith.constant 256 : i32
    %dma_start3A_26 = arith.constant 0 : i32
    %dma_start3A_27 = tpu.memref_slice %arg12[%dma_start3A_25, %dma_start3A_26] : memref<2048x16xf32, #tpu.memory_space<vmem>> -> memref<128x16xf32, #tpu.memory_space<vmem>>
    %dma_start3A_28 = arith.constant 256 : i32
    %dma_start3A_29 = tpu.memref_slice %arg11[%dma_start3A_28] : memref<2048xi32, #tpu.memory_space<vmem>> -> memref<128xi32, #tpu.memory_space<vmem>>
    %dma_start3A_30 = arith.constant 0 : i32
    %dma_start3A_31 = arith.constant 0 : i32
    %dma_start3A_32 = tpu.memref_slice %arg5[%dma_start3A_30, %dma_start3A_31] : memref<1000000x16xf32, #tpu.memory_space<hbm>> -> memref<1000000x16xf32, #tpu.memory_space<hbm>>
    tpu.enqueue_indirect_dma source(%dma_start3A_32 : memref<1000000x16xf32, #tpu.memory_space<hbm>>) target(%dma_start3A_27 : memref<128x16xf32, #tpu.memory_space<vmem>>) offsets(%dma_start3A_29 : memref<128xi32, #tpu.memory_space<vmem>>) semaphore(%arg13 : memref<!tpu.dma_semaphore, #tpu.memory_space<semaphore_mem>>)
    %dma_start3A_33 = arith.constant 384 : i32
    %dma_start3A_34 = arith.constant 0 : i32
    %dma_start3A_35 = tpu.memref_slice %arg12[%dma_start3A_33, %dma_start3A_34] : memref<2048x16xf32, #tpu.memory_space<vmem>> -> memref<128x16xf32, #tpu.memory_space<vmem>>
    %dma_start3A_36 = arith.constant 384 : i32
    %dma_start3A_37 = tpu.memref_slice %arg11[%dma_start3A_36] : memref<2048xi32, #tpu.memory_space<vmem>> -> memref<128xi32, #tpu.memory_space<vmem>>
    %dma_start3A_38 = arith.constant 0 : i32
    %dma_start3A_39 = arith.constant 0 : i32
    %dma_start3A_40 = tpu.memref_slice %arg5[%dma_start3A_38, %dma_start3A_39] : memref<1000000x16xf32, #tpu.memory_space<hbm>> -> memref<1000000x16xf32, #tpu.memory_space<hbm>>
    tpu.enqueue_indirect_dma source(%dma_start3A_40 : memref<1000000x16xf32, #tpu.memory_space<hbm>>) target(%dma_start3A_35 : memref<128x16xf32, #tpu.memory_space<vmem>>) offsets(%dma_start3A_37 : memref<128xi32, #tpu.memory_space<vmem>>) semaphore(%arg13 : memref<!tpu.dma_semaphore, #tpu.memory_space<semaphore_mem>>)
    %dma_wait3A = arith.constant 0 : i32
    %dma_wait3A_41 = arith.constant 0 : i32
    %dma_wait3A_42 = tpu.memref_slice %arg12[%dma_wait3A, %dma_wait3A_41] : memref<2048x16xf32, #tpu.memory_space<vmem>> -> memref<128x16xf32, #tpu.memory_space<vmem>>
    %dma_wait3A_43 = arith.constant 0 : i32
    %dma_wait3A_44 = tpu.memref_slice %arg11[%dma_wait3A_43] : memref<2048xi32, #tpu.memory_space<vmem>> -> memref<128xi32, #tpu.memory_space<vmem>>
    %dma_wait3A_45 = arith.constant 0 : i32
    %dma_wait3A_46 = arith.constant 0 : i32
    %dma_wait3A_47 = tpu.memref_slice %arg5[%dma_wait3A_45, %dma_wait3A_46] : memref<1000000x16xf32, #tpu.memory_space<hbm>> -> memref<1000000x16xf32, #tpu.memory_space<hbm>>
    tpu.wait_indirect_dma semaphore(%arg13 : memref<!tpu.dma_semaphore, #tpu.memory_space<semaphore_mem>>) src(%dma_wait3A_47 : memref<1000000x16xf32, #tpu.memory_space<hbm>>) dst(%dma_wait3A_42 : memref<128x16xf32, #tpu.memory_space<vmem>>)
    %dma_wait3A_48 = arith.constant 128 : i32
    %dma_wait3A_49 = arith.constant 0 : i32
    %dma_wait3A_50 = tpu.memref_slice %arg12[%dma_wait3A_48, %dma_wait3A_49] : memref<2048x16xf32, #tpu.memory_space<vmem>> -> memref<128x16xf32, #tpu.memory_space<vmem>>
    %dma_wait3A_51 = arith.constant 128 : i32
    %dma_wait3A_52 = tpu.memref_slice %arg11[%dma_wait3A_51] : memref<2048xi32, #tpu.memory_space<vmem>> -> memref<128xi32, #tpu.memory_space<vmem>>
    %dma_wait3A_53 = arith.constant 0 : i32
    %dma_wait3A_54 = arith.constant 0 : i32
    %dma_wait3A_55 = tpu.memref_slice %arg5[%dma_wait3A_53, %dma_wait3A_54] : memref<1000000x16xf32, #tpu.memory_space<hbm>> -> memref<1000000x16xf32, #tpu.memory_space<hbm>>
    tpu.wait_indirect_dma semaphore(%arg13 : memref<!tpu.dma_semaphore, #tpu.memory_space<semaphore_mem>>) src(%dma_wait3A_55 : memref<1000000x16xf32, #tpu.memory_space<hbm>>) dst(%dma_wait3A_50 : memref<128x16xf32, #tpu.memory_space<vmem>>)
    %dma_wait3A_56 = arith.constant 256 : i32
    %dma_wait3A_57 = arith.constant 0 : i32
    %dma_wait3A_58 = tpu.memref_slice %arg12[%dma_wait3A_56, %dma_wait3A_57] : memref<2048x16xf32, #tpu.memory_space<vmem>> -> memref<128x16xf32, #tpu.memory_space<vmem>>
    %dma_wait3A_59 = arith.constant 256 : i32
    %dma_wait3A_60 = tpu.memref_slice %arg11[%dma_wait3A_59] : memref<2048xi32, #tpu.memory_space<vmem>> -> memref<128xi32, #tpu.memory_space<vmem>>
    %dma_wait3A_61 = arith.constant 0 : i32
    %dma_wait3A_62 = arith.constant 0 : i32
    %dma_wait3A_63 = tpu.memref_slice %arg5[%dma_wait3A_61, %dma_wait3A_62] : memref<1000000x16xf32, #tpu.memory_space<hbm>> -> memref<1000000x16xf32, #tpu.memory_space<hbm>>
    tpu.wait_indirect_dma semaphore(%arg13 : memref<!tpu.dma_semaphore, #tpu.memory_space<semaphore_mem>>) src(%dma_wait3A_63 : memref<1000000x16xf32, #tpu.memory_space<hbm>>) dst(%dma_wait3A_58 : memref<128x16xf32, #tpu.memory_space<vmem>>)
    %dma_wait3A_64 = arith.constant 384 : i32
    %dma_wait3A_65 = arith.constant 0 : i32
    %dma_wait3A_66 = tpu.memref_slice %arg12[%dma_wait3A_64, %dma_wait3A_65] : memref<2048x16xf32, #tpu.memory_space<vmem>> -> memref<128x16xf32, #tpu.memory_space<vmem>>
    %dma_wait3A_67 = arith.constant 384 : i32
    %dma_wait3A_68 = tpu.memref_slice %arg11[%dma_wait3A_67] : memref<2048xi32, #tpu.memory_space<vmem>> -> memref<128xi32, #tpu.memory_space<vmem>>
    %dma_wait3A_69 = arith.constant 0 : i32
    %dma_wait3A_70 = arith.constant 0 : i32
    %dma_wait3A_71 = tpu.memref_slice %arg5[%dma_wait3A_69, %dma_wait3A_70] : memref<1000000x16xf32, #tpu.memory_space<hbm>> -> memref<1000000x16xf32, #tpu.memory_space<hbm>>
    tpu.wait_indirect_dma semaphore(%arg13 : memref<!tpu.dma_semaphore, #tpu.memory_space<semaphore_mem>>) src(%dma_wait3A_71 : memref<1000000x16xf32, #tpu.memory_space<hbm>>) dst(%dma_wait3A_66 : memref<128x16xf32, #tpu.memory_space<vmem>>)
    %mul3A_72 = arith.constant 512 : i32
    %mul3A_73 = arith.muli %add3A, %mul3A_72 : i32
    "tpu.region"() ({
      %run_scoped3A = tpu.sem_alloc : memref<!tpu.dma_semaphore, #tpu.memory_space<semaphore_mem>>
      %dma_start3A_142 = arith.constant 0 : i32
      %dma_start3A_143 = arith.constant 0 : i32
      %dma_start3A_144 = tpu.memref_slice %arg12[%dma_start3A_142, %dma_start3A_143] : memref<2048x16xf32, #tpu.memory_space<vmem>> -> memref<512x16xf32, #tpu.memory_space<vmem>>
      %dma_start3A_145 = arith.constant 0 : i32
      %dma_start3A_146 = tpu.memref_slice %arg9[%mul3A_73, %dma_start3A_145] : memref<16384x16xf32, #tpu.memory_space<hbm>> -> memref<512x16xf32, #tpu.memory_space<hbm>>
      %dma_start3A_147 = arith.constant 0 : i32
      %dma_start3A_148 = tpu.memref_slice %arg9[%mul3A_73, %dma_start3A_147] : memref<16384x16xf32, #tpu.memory_space<hbm>> -> memref<512x16xf32, #tpu.memory_space<hbm>>
      %dma_start3A_149 = arith.constant 0 : i32
      %dma_start3A_150 = arith.constant 0 : i32
      %dma_start3A_151 = tpu.memref_slice %arg12[%dma_start3A_149, %dma_start3A_150] : memref<2048x16xf32, #tpu.memory_space<vmem>> -> memref<512x16xf32, #tpu.memory_space<vmem>>
      tpu.enqueue_dma source(%dma_start3A_151 : memref<512x16xf32, #tpu.memory_space<vmem>>) target(%dma_start3A_148 : memref<512x16xf32, #tpu.memory_space<hbm>>) target_semaphore(%run_scoped3A : memref<!tpu.dma_semaphore, #tpu.memory_space<semaphore_mem>>)
      %dma_wait3A_152 = arith.constant 0 : i32
      %dma_wait3A_153 = arith.constant 0 : i32
      %dma_wait3A_154 = tpu.memref_slice %arg12[%dma_wait3A_152, %dma_wait3A_153] : memref<2048x16xf32, #tpu.memory_space<vmem>> -> memref<512x16xf32, #tpu.memory_space<vmem>>
      %dma_wait3A_155 = arith.constant 0 : i32
      %dma_wait3A_156 = tpu.memref_slice %arg9[%mul3A_73, %dma_wait3A_155] : memref<16384x16xf32, #tpu.memory_space<hbm>> -> memref<512x16xf32, #tpu.memory_space<hbm>>
      %dma_wait3A_157 = arith.constant 0 : i32
      %dma_wait3A_158 = tpu.memref_slice %arg9[%mul3A_73, %dma_wait3A_157] : memref<16384x16xf32, #tpu.memory_space<hbm>> -> memref<512x16xf32, #tpu.memory_space<hbm>>
      %dma_wait3A_159 = arith.constant 0 : i32
      %dma_wait3A_160 = arith.constant 0 : i32
      %dma_wait3A_161 = tpu.memref_slice %arg12[%dma_wait3A_159, %dma_wait3A_160] : memref<2048x16xf32, #tpu.memory_space<vmem>> -> memref<512x16xf32, #tpu.memory_space<vmem>>
      tpu.wait_dma2 semaphore(%run_scoped3A : memref<!tpu.dma_semaphore, #tpu.memory_space<semaphore_mem>>) src(%dma_wait3A_161 : memref<512x16xf32, #tpu.memory_space<vmem>>) dst(%dma_wait3A_158 : memref<512x16xf32, #tpu.memory_space<hbm>>)
      tpu.yield
    }) : () -> ()
    %mul3A_74 = arith.constant 512 : i32
    %mul3A_75 = arith.muli %add3A, %mul3A_74 : i32
    "tpu.region"() ({
      %run_scoped3A = tpu.sem_alloc : memref<!tpu.dma_semaphore, #tpu.memory_space<semaphore_mem>>
      %dma_start3A_142 = arith.constant 0 : i32
      %dma_start3A_143 = tpu.memref_slice %arg11[%dma_start3A_142] : memref<2048xi32, #tpu.memory_space<vmem>> -> memref<512xi32, #tpu.memory_space<vmem>>
      %dma_start3A_144 = tpu.memref_slice %arg6[%mul3A_75] : memref<16384xi32, #tpu.memory_space<hbm>> -> memref<512xi32, #tpu.memory_space<hbm>>
      %dma_start3A_145 = arith.constant 0 : i32
      %dma_start3A_146 = tpu.memref_slice %arg11[%dma_start3A_145] : memref<2048xi32, #tpu.memory_space<vmem>> -> memref<512xi32, #tpu.memory_space<vmem>>
      %dma_start3A_147 = tpu.memref_slice %arg6[%mul3A_75] : memref<16384xi32, #tpu.memory_space<hbm>> -> memref<512xi32, #tpu.memory_space<hbm>>
      tpu.enqueue_dma source(%dma_start3A_147 : memref<512xi32, #tpu.memory_space<hbm>>) target(%dma_start3A_146 : memref<512xi32, #tpu.memory_space<vmem>>) target_semaphore(%run_scoped3A : memref<!tpu.dma_semaphore, #tpu.memory_space<semaphore_mem>>)
      %dma_wait3A_148 = arith.constant 0 : i32
      %dma_wait3A_149 = tpu.memref_slice %arg11[%dma_wait3A_148] : memref<2048xi32, #tpu.memory_space<vmem>> -> memref<512xi32, #tpu.memory_space<vmem>>
      %dma_wait3A_150 = tpu.memref_slice %arg6[%mul3A_75] : memref<16384xi32, #tpu.memory_space<hbm>> -> memref<512xi32, #tpu.memory_space<hbm>>
      %dma_wait3A_151 = arith.constant 0 : i32
      %dma_wait3A_152 = tpu.memref_slice %arg11[%dma_wait3A_151] : memref<2048xi32, #tpu.memory_space<vmem>> -> memref<512xi32, #tpu.memory_space<vmem>>
      %dma_wait3A_153 = tpu.memref_slice %arg6[%mul3A_75] : memref<16384xi32, #tpu.memory_space<hbm>> -> memref<512xi32, #tpu.memory_space<hbm>>
      tpu.wait_dma2 semaphore(%run_scoped3A : memref<!tpu.dma_semaphore, #tpu.memory_space<semaphore_mem>>) src(%dma_wait3A_153 : memref<512xi32, #tpu.memory_space<hbm>>) dst(%dma_wait3A_152 : memref<512xi32, #tpu.memory_space<vmem>>)
      tpu.yield
    }) : () -> ()
    %dma_start3A_76 = arith.constant 0 : i32
    %dma_start3A_77 = arith.constant 0 : i32
    %dma_start3A_78 = tpu.memref_slice %arg12[%dma_start3A_76, %dma_start3A_77] : memref<2048x16xf32, #tpu.memory_space<vmem>> -> memref<128x16xf32, #tpu.memory_space<vmem>>
    %dma_start3A_79 = arith.constant 0 : i32
    %dma_start3A_80 = tpu.memref_slice %arg11[%dma_start3A_79] : memref<2048xi32, #tpu.memory_space<vmem>> -> memref<128xi32, #tpu.memory_space<vmem>>
    %dma_start3A_81 = arith.constant 0 : i32
    %dma_start3A_82 = arith.constant 0 : i32
    %dma_start3A_83 = tpu.memref_slice %arg7[%dma_start3A_81, %dma_start3A_82] : memref<1000000x16xf32, #tpu.memory_space<hbm>> -> memref<1000000x16xf32, #tpu.memory_space<hbm>>
    tpu.enqueue_indirect_dma source(%dma_start3A_83 : memref<1000000x16xf32, #tpu.memory_space<hbm>>) target(%dma_start3A_78 : memref<128x16xf32, #tpu.memory_space<vmem>>) offsets(%dma_start3A_80 : memref<128xi32, #tpu.memory_space<vmem>>) semaphore(%arg13 : memref<!tpu.dma_semaphore, #tpu.memory_space<semaphore_mem>>)
    %dma_start3A_84 = arith.constant 128 : i32
    %dma_start3A_85 = arith.constant 0 : i32
    %dma_start3A_86 = tpu.memref_slice %arg12[%dma_start3A_84, %dma_start3A_85] : memref<2048x16xf32, #tpu.memory_space<vmem>> -> memref<128x16xf32, #tpu.memory_space<vmem>>
    %dma_start3A_87 = arith.constant 128 : i32
    %dma_start3A_88 = tpu.memref_slice %arg11[%dma_start3A_87] : memref<2048xi32, #tpu.memory_space<vmem>> -> memref<128xi32, #tpu.memory_space<vmem>>
    %dma_start3A_89 = arith.constant 0 : i32
    %dma_start3A_90 = arith.constant 0 : i32
    %dma_start3A_91 = tpu.memref_slice %arg7[%dma_start3A_89, %dma_start3A_90] : memref<1000000x16xf32, #tpu.memory_space<hbm>> -> memref<1000000x16xf32, #tpu.memory_space<hbm>>
    tpu.enqueue_indirect_dma source(%dma_start3A_91 : memref<1000000x16xf32, #tpu.memory_space<hbm>>) target(%dma_start3A_86 : memref<128x16xf32, #tpu.memory_space<vmem>>) offsets(%dma_start3A_88 : memref<128xi32, #tpu.memory_space<vmem>>) semaphore(%arg13 : memref<!tpu.dma_semaphore, #tpu.memory_space<semaphore_mem>>)
    %dma_start3A_92 = arith.constant 256 : i32
    %dma_start3A_93 = arith.constant 0 : i32
    %dma_start3A_94 = tpu.memref_slice %arg12[%dma_start3A_92, %dma_start3A_93] : memref<2048x16xf32, #tpu.memory_space<vmem>> -> memref<128x16xf32, #tpu.memory_space<vmem>>
    %dma_start3A_95 = arith.constant 256 : i32
    %dma_start3A_96 = tpu.memref_slice %arg11[%dma_start3A_95] : memref<2048xi32, #tpu.memory_space<vmem>> -> memref<128xi32, #tpu.memory_space<vmem>>
    %dma_start3A_97 = arith.constant 0 : i32
    %dma_start3A_98 = arith.constant 0 : i32
    %dma_start3A_99 = tpu.memref_slice %arg7[%dma_start3A_97, %dma_start3A_98] : memref<1000000x16xf32, #tpu.memory_space<hbm>> -> memref<1000000x16xf32, #tpu.memory_space<hbm>>
    tpu.enqueue_indirect_dma source(%dma_start3A_99 : memref<1000000x16xf32, #tpu.memory_space<hbm>>) target(%dma_start3A_94 : memref<128x16xf32, #tpu.memory_space<vmem>>) offsets(%dma_start3A_96 : memref<128xi32, #tpu.memory_space<vmem>>) semaphore(%arg13 : memref<!tpu.dma_semaphore, #tpu.memory_space<semaphore_mem>>)
    %dma_start3A_100 = arith.constant 384 : i32
    %dma_start3A_101 = arith.constant 0 : i32
    %dma_start3A_102 = tpu.memref_slice %arg12[%dma_start3A_100, %dma_start3A_101] : memref<2048x16xf32, #tpu.memory_space<vmem>> -> memref<128x16xf32, #tpu.memory_space<vmem>>
    %dma_start3A_103 = arith.constant 384 : i32
    %dma_start3A_104 = tpu.memref_slice %arg11[%dma_start3A_103] : memref<2048xi32, #tpu.memory_space<vmem>> -> memref<128xi32, #tpu.memory_space<vmem>>
    %dma_start3A_105 = arith.constant 0 : i32
    %dma_start3A_106 = arith.constant 0 : i32
    %dma_start3A_107 = tpu.memref_slice %arg7[%dma_start3A_105, %dma_start3A_106] : memref<1000000x16xf32, #tpu.memory_space<hbm>> -> memref<1000000x16xf32, #tpu.memory_space<hbm>>
    tpu.enqueue_indirect_dma source(%dma_start3A_107 : memref<1000000x16xf32, #tpu.memory_space<hbm>>) target(%dma_start3A_102 : memref<128x16xf32, #tpu.memory_space<vmem>>) offsets(%dma_start3A_104 : memref<128xi32, #tpu.memory_space<vmem>>) semaphore(%arg13 : memref<!tpu.dma_semaphore, #tpu.memory_space<semaphore_mem>>)
    %dma_wait3A_108 = arith.constant 0 : i32
    %dma_wait3A_109 = arith.constant 0 : i32
    %dma_wait3A_110 = tpu.memref_slice %arg12[%dma_wait3A_108, %dma_wait3A_109] : memref<2048x16xf32, #tpu.memory_space<vmem>> -> memref<128x16xf32, #tpu.memory_space<vmem>>
    %dma_wait3A_111 = arith.constant 0 : i32
    %dma_wait3A_112 = tpu.memref_slice %arg11[%dma_wait3A_111] : memref<2048xi32, #tpu.memory_space<vmem>> -> memref<128xi32, #tpu.memory_space<vmem>>
    %dma_wait3A_113 = arith.constant 0 : i32
    %dma_wait3A_114 = arith.constant 0 : i32
    %dma_wait3A_115 = tpu.memref_slice %arg7[%dma_wait3A_113, %dma_wait3A_114] : memref<1000000x16xf32, #tpu.memory_space<hbm>> -> memref<1000000x16xf32, #tpu.memory_space<hbm>>
    tpu.wait_indirect_dma semaphore(%arg13 : memref<!tpu.dma_semaphore, #tpu.memory_space<semaphore_mem>>) src(%dma_wait3A_115 : memref<1000000x16xf32, #tpu.memory_space<hbm>>) dst(%dma_wait3A_110 : memref<128x16xf32, #tpu.memory_space<vmem>>)
    %dma_wait3A_116 = arith.constant 128 : i32
    %dma_wait3A_117 = arith.constant 0 : i32
    %dma_wait3A_118 = tpu.memref_slice %arg12[%dma_wait3A_116, %dma_wait3A_117] : memref<2048x16xf32, #tpu.memory_space<vmem>> -> memref<128x16xf32, #tpu.memory_space<vmem>>
    %dma_wait3A_119 = arith.constant 128 : i32
    %dma_wait3A_120 = tpu.memref_slice %arg11[%dma_wait3A_119] : memref<2048xi32, #tpu.memory_space<vmem>> -> memref<128xi32, #tpu.memory_space<vmem>>
    %dma_wait3A_121 = arith.constant 0 : i32
    %dma_wait3A_122 = arith.constant 0 : i32
    %dma_wait3A_123 = tpu.memref_slice %arg7[%dma_wait3A_121, %dma_wait3A_122] : memref<1000000x16xf32, #tpu.memory_space<hbm>> -> memref<1000000x16xf32, #tpu.memory_space<hbm>>
    tpu.wait_indirect_dma semaphore(%arg13 : memref<!tpu.dma_semaphore, #tpu.memory_space<semaphore_mem>>) src(%dma_wait3A_123 : memref<1000000x16xf32, #tpu.memory_space<hbm>>) dst(%dma_wait3A_118 : memref<128x16xf32, #tpu.memory_space<vmem>>)
    %dma_wait3A_124 = arith.constant 256 : i32
    %dma_wait3A_125 = arith.constant 0 : i32
    %dma_wait3A_126 = tpu.memref_slice %arg12[%dma_wait3A_124, %dma_wait3A_125] : memref<2048x16xf32, #tpu.memory_space<vmem>> -> memref<128x16xf32, #tpu.memory_space<vmem>>
    %dma_wait3A_127 = arith.constant 256 : i32
    %dma_wait3A_128 = tpu.memref_slice %arg11[%dma_wait3A_127] : memref<2048xi32, #tpu.memory_space<vmem>> -> memref<128xi32, #tpu.memory_space<vmem>>
    %dma_wait3A_129 = arith.constant 0 : i32
    %dma_wait3A_130 = arith.constant 0 : i32
    %dma_wait3A_131 = tpu.memref_slice %arg7[%dma_wait3A_129, %dma_wait3A_130] : memref<1000000x16xf32, #tpu.memory_space<hbm>> -> memref<1000000x16xf32, #tpu.memory_space<hbm>>
    tpu.wait_indirect_dma semaphore(%arg13 : memref<!tpu.dma_semaphore, #tpu.memory_space<semaphore_mem>>) src(%dma_wait3A_131 : memref<1000000x16xf32, #tpu.memory_space<hbm>>) dst(%dma_wait3A_126 : memref<128x16xf32, #tpu.memory_space<vmem>>)
    %dma_wait3A_132 = arith.constant 384 : i32
    %dma_wait3A_133 = arith.constant 0 : i32
    %dma_wait3A_134 = tpu.memref_slice %arg12[%dma_wait3A_132, %dma_wait3A_133] : memref<2048x16xf32, #tpu.memory_space<vmem>> -> memref<128x16xf32, #tpu.memory_space<vmem>>
    %dma_wait3A_135 = arith.constant 384 : i32
    %dma_wait3A_136 = tpu.memref_slice %arg11[%dma_wait3A_135] : memref<2048xi32, #tpu.memory_space<vmem>> -> memref<128xi32, #tpu.memory_space<vmem>>
    %dma_wait3A_137 = arith.constant 0 : i32
    %dma_wait3A_138 = arith.constant 0 : i32
    %dma_wait3A_139 = tpu.memref_slice %arg7[%dma_wait3A_137, %dma_wait3A_138] : memref<1000000x16xf32, #tpu.memory_space<hbm>> -> memref<1000000x16xf32, #tpu.memory_space<hbm>>
    tpu.wait_indirect_dma semaphore(%arg13 : memref<!tpu.dma_semaphore, #tpu.memory_space<semaphore_mem>>) src(%dma_wait3A_139 : memref<1000000x16xf32, #tpu.memory_space<hbm>>) dst(%dma_wait3A_134 : memref<128x16xf32, #tpu.memory_space<vmem>>)
    %mul3A_140 = arith.constant 512 : i32
    %mul3A_141 = arith.muli %add3A, %mul3A_140 : i32
    "tpu.region"() ({
      %run_scoped3A = tpu.sem_alloc : memref<!tpu.dma_semaphore, #tpu.memory_space<semaphore_mem>>
      %dma_start3A_142 = arith.constant 0 : i32
      %dma_start3A_143 = arith.constant 0 : i32
      %dma_start3A_144 = tpu.memref_slice %arg12[%dma_start3A_142, %dma_start3A_143] : memref<2048x16xf32, #tpu.memory_space<vmem>> -> memref<512x16xf32, #tpu.memory_space<vmem>>
      %dma_start3A_145 = arith.constant 0 : i32
      %dma_start3A_146 = tpu.memref_slice %arg10[%mul3A_141, %dma_start3A_145] : memref<16384x16xf32, #tpu.memory_space<hbm>> -> memref<512x16xf32, #tpu.memory_space<hbm>>
      %dma_start3A_147 = arith.constant 0 : i32
      %dma_start3A_148 = tpu.memref_slice %arg10[%mul3A_141, %dma_start3A_147] : memref<16384x16xf32, #tpu.memory_space<hbm>> -> memref<512x16xf32, #tpu.memory_space<hbm>>
      %dma_start3A_149 = arith.constant 0 : i32
      %dma_start3A_150 = arith.constant 0 : i32
      %dma_start3A_151 = tpu.memref_slice %arg12[%dma_start3A_149, %dma_start3A_150] : memref<2048x16xf32, #tpu.memory_space<vmem>> -> memref<512x16xf32, #tpu.memory_space<vmem>>
      tpu.enqueue_dma source(%dma_start3A_151 : memref<512x16xf32, #tpu.memory_space<vmem>>) target(%dma_start3A_148 : memref<512x16xf32, #tpu.memory_space<hbm>>) target_semaphore(%run_scoped3A : memref<!tpu.dma_semaphore, #tpu.memory_space<semaphore_mem>>)
      %dma_wait3A_152 = arith.constant 0 : i32
      %dma_wait3A_153 = arith.constant 0 : i32
      %dma_wait3A_154 = tpu.memref_slice %arg12[%dma_wait3A_152, %dma_wait3A_153] : memref<2048x16xf32, #tpu.memory_space<vmem>> -> memref<512x16xf32, #tpu.memory_space<vmem>>
      %dma_wait3A_155 = arith.constant 0 : i32
      %dma_wait3A_156 = tpu.memref_slice %arg10[%mul3A_141, %dma_wait3A_155] : memref<16384x16xf32, #tpu.memory_space<hbm>> -> memref<512x16xf32, #tpu.memory_space<hbm>>
      %dma_wait3A_157 = arith.constant 0 : i32
      %dma_wait3A_158 = tpu.memref_slice %arg10[%mul3A_141, %dma_wait3A_157] : memref<16384x16xf32, #tpu.memory_space<hbm>> -> memref<512x16xf32, #tpu.memory_space<hbm>>
      %dma_wait3A_159 = arith.constant 0 : i32
      %dma_wait3A_160 = arith.constant 0 : i32
      %dma_wait3A_161 = tpu.memref_slice %arg12[%dma_wait3A_159, %dma_wait3A_160] : memref<2048x16xf32, #tpu.memory_space<vmem>> -> memref<512x16xf32, #tpu.memory_space<vmem>>
      tpu.wait_dma2 semaphore(%run_scoped3A : memref<!tpu.dma_semaphore, #tpu.memory_space<semaphore_mem>>) src(%dma_wait3A_161 : memref<512x16xf32, #tpu.memory_space<vmem>>) dst(%dma_wait3A_158 : memref<512x16xf32, #tpu.memory_space<hbm>>)
      tpu.yield
    }) : () -> ()
    return
  }
}

module attributes {stable_mosaic.version = 14 : i64} {
  func.func @body(%arg0: i32, %arg1: memref<3200x128xf32, #tpu.memory_space<vmem>>, %arg2: memref<128x16xf32, #tpu.memory_space<vmem>>, %arg3: memref<128x16xf32, #tpu.memory_space<vmem>>, %arg4: memref<128x8xf32, #tpu.memory_space<vmem>>, %arg5: memref<128x20xf32, #tpu.memory_space<vmem>>, %arg6: memref<256x512xf32, #tpu.memory_space<vmem>>, %arg7: memref<16x64xf32, #tpu.memory_space<vmem>>, %arg8: memref<1x64xf32, #tpu.memory_space<vmem>>, %arg9: memref<512x8xf32, #tpu.memory_space<vmem>>, %arg10: memref<8x128xf32, #tpu.memory_space<vmem>>, %arg11: memref<128x16xf32, #tpu.memory_space<vmem>>, %arg12: memref<128x3200xf32, #tpu.memory_space<vmem>>, %arg13: memref<3200x128xf32, #tpu.memory_space<vmem>>, %arg14: memref<8x64xf32, #tpu.memory_space<vmem>>, %arg15: memref<1x64xf32, #tpu.memory_space<vmem>>, %arg16: memref<64x16xf32, #tpu.memory_space<vmem>>, %arg17: memref<1x16xf32, #tpu.memory_space<vmem>>, %arg18: memref<20x16xf32, #tpu.memory_space<vmem>>, %arg19: memref<1x16xf32, #tpu.memory_space<vmem>>, %arg20: memref<90x256xf32, #tpu.memory_space<vmem>>, %arg21: memref<1x256xf32, #tpu.memory_space<vmem>>, %arg22: memref<256x128xf32, #tpu.memory_space<vmem>>, %arg23: memref<1x128xf32, #tpu.memory_space<vmem>>, %arg24: memref<128x1xf32, #tpu.memory_space<vmem>>, %arg25: memref<1x1xf32, #tpu.memory_space<vmem>>, %arg26: memref<128x1xf32, #tpu.memory_space<vmem>>) attributes {dimension_semantics = [#tpu.dimension_semantics<arbitrary>], iteration_bounds = array<i64: 128>, scalar_prefetch = 0 : i64, scratch_operands = 0 : i64, tpu.core_type = #tpu.core_type<tc>, window_params = [{transform_indices = @transform_0, window_bounds = array<i64: 3200, 128>}, {transform_indices = @transform_1, window_bounds = array<i64: 128, 16>}, {transform_indices = @transform_2, window_bounds = array<i64: 128, 16>}, {transform_indices = @transform_3, window_bounds = array<i64: 128, 8>}, {transform_indices = @transform_4, window_bounds = array<i64: 128, 20>}, {pipeline_mode = #tpu.pipeline_mode<synchronous>, transform_indices = @transform_5, window_bounds = array<i64: 256, 512>}, {pipeline_mode = #tpu.pipeline_mode<synchronous>, transform_indices = @transform_6, window_bounds = array<i64: 16, 64>}, {pipeline_mode = #tpu.pipeline_mode<synchronous>, transform_indices = @transform_7, window_bounds = array<i64: 1, 64>}, {pipeline_mode = #tpu.pipeline_mode<synchronous>, transform_indices = @transform_8, window_bounds = array<i64: 512, 8>}, {pipeline_mode = #tpu.pipeline_mode<synchronous>, transform_indices = @transform_9, window_bounds = array<i64: 8, 128>}, {pipeline_mode = #tpu.pipeline_mode<synchronous>, transform_indices = @transform_10, window_bounds = array<i64: 128, 16>}, {pipeline_mode = #tpu.pipeline_mode<synchronous>, transform_indices = @transform_11, window_bounds = array<i64: 128, 3200>}, {pipeline_mode = #tpu.pipeline_mode<synchronous>, transform_indices = @transform_12, window_bounds = array<i64: 3200, 128>}, {pipeline_mode = #tpu.pipeline_mode<synchronous>, transform_indices = @transform_13, window_bounds = array<i64: 8, 64>}, {pipeline_mode = #tpu.pipeline_mode<synchronous>, transform_indices = @transform_14, window_bounds = array<i64: 1, 64>}, {pipeline_mode = #tpu.pipeline_mode<synchronous>, transform_indices = @transform_15, window_bounds = array<i64: 64, 16>}, {pipeline_mode = #tpu.pipeline_mode<synchronous>, transform_indices = @transform_16, window_bounds = array<i64: 1, 16>}, {pipeline_mode = #tpu.pipeline_mode<synchronous>, transform_indices = @transform_17, window_bounds = array<i64: 20, 16>}, {pipeline_mode = #tpu.pipeline_mode<synchronous>, transform_indices = @transform_18, window_bounds = array<i64: 1, 16>}, {pipeline_mode = #tpu.pipeline_mode<synchronous>, transform_indices = @transform_19, window_bounds = array<i64: 90, 256>}, {pipeline_mode = #tpu.pipeline_mode<synchronous>, transform_indices = @transform_20, window_bounds = array<i64: 1, 256>}, {pipeline_mode = #tpu.pipeline_mode<synchronous>, transform_indices = @transform_21, window_bounds = array<i64: 256, 128>}, {pipeline_mode = #tpu.pipeline_mode<synchronous>, transform_indices = @transform_22, window_bounds = array<i64: 1, 128>}, {pipeline_mode = #tpu.pipeline_mode<synchronous>, transform_indices = @transform_23, window_bounds = array<i64: 128, 1>}, {pipeline_mode = #tpu.pipeline_mode<synchronous>, transform_indices = @transform_24, window_bounds = array<i64: 1, 1>}, {transform_indices = @transform_25, window_bounds = array<i64: 128, 1>}]} {
    %get3A = arith.constant 0 : index
    %get3A_0 = arith.constant 0 : index
    %get3A_1 = vector.load %arg1[%get3A, %get3A_0] : memref<3200x128xf32, #tpu.memory_space<vmem>>, vector<3200x128xf32>
    %get3A_2 = arith.constant 0 : index
    %get3A_3 = arith.constant 0 : index
    %get3A_4 = vector.load %arg3[%get3A_2, %get3A_3] : memref<128x16xf32, #tpu.memory_space<vmem>>, vector<128x16xf32>
    %concatenate3A = tpu.concatenate %get3A_4, %get3A_4, %get3A_4, %get3A_4, %get3A_4, %get3A_4, %get3A_4, %get3A_4 in 1 : vector<128x16xf32>, vector<128x16xf32>, vector<128x16xf32>, vector<128x16xf32>, vector<128x16xf32>, vector<128x16xf32>, vector<128x16xf32>, vector<128x16xf32> -> vector<128x128xf32>
    %get3A_5 = arith.constant 0 : index
    %get3A_6 = arith.constant 0 : index
    %get3A_7 = vector.load %arg13[%get3A_5, %get3A_6] : memref<3200x128xf32, #tpu.memory_space<vmem>>, vector<3200x128xf32>
    %dot_general3A = arith.constant dense<0.000000e+00> : vector<3200x128xf32>
    %dot_general3A_8 = tpu.matmul %get3A_7, %concatenate3A, %dot_general3A {dimension_numbers = #tpu.dot_dimension_numbers<[1], [0], [0], [1], [0, 0, 1, 1], [], []>, transpose_lhs_hint = false} : vector<3200x128xf32>, vector<128x128xf32>, vector<3200x128xf32> -> vector<3200x128xf32>
    %mul3A = arith.mulf %get3A_1, %dot_general3A_8 : vector<3200x128xf32>
    %concatenate3A_9 = tpu.concatenate %get3A_1, %mul3A in 1 : vector<3200x128xf32>, vector<3200x128xf32> -> vector<3200x256xf32>
    %get3A_10 = arith.constant 0 : index
    %get3A_11 = arith.constant 0 : index
    %get3A_12 = vector.load %arg6[%get3A_10, %get3A_11] : memref<256x512xf32, #tpu.memory_space<vmem>>, vector<256x512xf32>
    %dot_general3A_13 = arith.constant dense<0.000000e+00> : vector<3200x512xf32>
    %dot_general3A_14 = tpu.matmul %concatenate3A_9, %get3A_12, %dot_general3A_13 {dimension_numbers = #tpu.dot_dimension_numbers<[1], [0], [0], [1], [0, 0, 1, 1], [], []>, transpose_lhs_hint = false} : vector<3200x256xf32>, vector<256x512xf32>, vector<3200x512xf32> -> vector<3200x512xf32>
    %get3A_15 = arith.constant 0 : index
    %get3A_16 = arith.constant 0 : index
    %get3A_17 = vector.load %arg7[%get3A_15, %get3A_16] : memref<16x64xf32, #tpu.memory_space<vmem>>, vector<16x64xf32>
    %dot_general3A_18 = arith.constant dense<0.000000e+00> : vector<128x64xf32>
    %dot_general3A_19 = tpu.matmul %get3A_4, %get3A_17, %dot_general3A_18 {dimension_numbers = #tpu.dot_dimension_numbers<[1], [0], [0], [1], [0, 0, 1, 1], [], []>, transpose_lhs_hint = false} : vector<128x16xf32>, vector<16x64xf32>, vector<128x64xf32> -> vector<128x64xf32>
    %get3A_20 = arith.constant 0 : index
    %get3A_21 = arith.constant 0 : index
    %get3A_22 = vector.load %arg8[%get3A_20, %get3A_21] : memref<1x64xf32, #tpu.memory_space<vmem>>, vector<1x64xf32>
    %add3A = vector.broadcast %get3A_22 : vector<1x64xf32> to vector<128x64xf32>
    %add3A_23 = arith.addf %dot_general3A_19, %add3A : vector<128x64xf32>
    %concatenate3A_24 = tpu.concatenate %add3A_23, %add3A_23, %add3A_23, %add3A_23, %add3A_23, %add3A_23, %add3A_23, %add3A_23 in 1 : vector<128x64xf32>, vector<128x64xf32>, vector<128x64xf32>, vector<128x64xf32>, vector<128x64xf32>, vector<128x64xf32>, vector<128x64xf32>, vector<128x64xf32> -> vector<128x512xf32>
    %get3A_25 = arith.constant 0 : index
    %get3A_26 = arith.constant 0 : index
    %get3A_27 = vector.load %arg13[%get3A_25, %get3A_26] : memref<3200x128xf32, #tpu.memory_space<vmem>>, vector<3200x128xf32>
    %dot_general3A_28 = arith.constant dense<0.000000e+00> : vector<3200x512xf32>
    %dot_general3A_29 = tpu.matmul %get3A_27, %concatenate3A_24, %dot_general3A_28 {dimension_numbers = #tpu.dot_dimension_numbers<[1], [0], [0], [1], [0, 0, 1, 1], [], []>, transpose_lhs_hint = false} : vector<3200x128xf32>, vector<128x512xf32>, vector<3200x512xf32> -> vector<3200x512xf32>
    %add3A_30 = arith.addf %dot_general3A_14, %dot_general3A_29 : vector<3200x512xf32>
    %max3A = arith.constant 0.000000e+00 : f32
    %max3A_31 = vector.broadcast %max3A : f32 to vector<3200x512xf32>
    %max3A_32 = arith.maximumf %add3A_30, %max3A_31 : vector<3200x512xf32>
    %get3A_33 = arith.constant 0 : index
    %get3A_34 = arith.constant 0 : index
    %get3A_35 = vector.load %arg9[%get3A_33, %get3A_34] : memref<512x8xf32, #tpu.memory_space<vmem>>, vector<512x8xf32>
    %dot_general3A_36 = arith.constant dense<0.000000e+00> : vector<3200x8xf32>
    %dot_general3A_37 = tpu.matmul %max3A_32, %get3A_35, %dot_general3A_36 {dimension_numbers = #tpu.dot_dimension_numbers<[1], [0], [0], [1], [0, 0, 1, 1], [], []>, transpose_lhs_hint = false} : vector<3200x512xf32>, vector<512x8xf32>, vector<3200x8xf32> -> vector<3200x8xf32>
    %max3A_38 = arith.constant 0.000000e+00 : f32
    %max3A_39 = vector.broadcast %max3A_38 : f32 to vector<128x512xf32>
    %max3A_40 = arith.maximumf %concatenate3A_24, %max3A_39 : vector<128x512xf32>
    %get3A_41 = arith.constant 0 : index
    %get3A_42 = arith.constant 0 : index
    %get3A_43 = vector.load %arg9[%get3A_41, %get3A_42] : memref<512x8xf32, #tpu.memory_space<vmem>>, vector<512x8xf32>
    %dot_general3A_44 = arith.constant dense<0.000000e+00> : vector<128x8xf32>
    %dot_general3A_45 = tpu.matmul %max3A_40, %get3A_43, %dot_general3A_44 {dimension_numbers = #tpu.dot_dimension_numbers<[1], [0], [0], [1], [0, 0, 1, 1], [], []>, transpose_lhs_hint = false} : vector<128x512xf32>, vector<512x8xf32>, vector<128x8xf32> -> vector<128x8xf32>
    %transpose3A = tpu.transpose %dot_general3A_37, [1, 0] : vector<3200x8xf32> -> vector<8x3200xf32>
    %transpose3A_46 = tpu.transpose %dot_general3A_45, [1, 0] : vector<128x8xf32> -> vector<8x128xf32>
    %get3A_47 = arith.constant 0 : index
    %get3A_48 = arith.constant 0 : index
    %get3A_49 = vector.load %arg12[%get3A_47, %get3A_48] : memref<128x3200xf32, #tpu.memory_space<vmem>>, vector<128x3200xf32>
    %dot_general3A_50 = arith.constant dense<0.000000e+00> : vector<8x3200xf32>
    %dot_general3A_51 = tpu.matmul %transpose3A_46, %get3A_49, %dot_general3A_50 {dimension_numbers = #tpu.dot_dimension_numbers<[1], [0], [0], [1], [0, 0, 1, 1], [], []>, transpose_lhs_hint = false} : vector<8x128xf32>, vector<128x3200xf32>, vector<8x3200xf32> -> vector<8x3200xf32>
    %eq3A = arith.cmpf oeq, %transpose3A, %dot_general3A_51 : vector<8x3200xf32>
    %jit3A = arith.constant -1.000000e+09 : f32
    %broadcast_in_dim3A = vector.broadcast %jit3A : f32 to vector<8x3200xf32>
    %select_n3A = arith.select %eq3A, %broadcast_in_dim3A, %transpose3A : vector<8x3200xi1>, vector<8x3200xf32>
    %exp3A = math.exp %select_n3A : vector<8x3200xf32>
    %reduce_sum3A = arith.constant dense<0.000000e+00> : vector<3200xf32>
    %reduce_sum3A_52 = vector.multi_reduction <add>, %exp3A, %reduce_sum3A [0] : vector<8x3200xf32> to vector<3200xf32>
    %broadcast_in_dim3A_53 = vector.shape_cast %reduce_sum3A_52 : vector<3200xf32> to vector<1x3200xf32>
    %get3A_54 = arith.constant 0 : index
    %get3A_55 = arith.constant 0 : index
    %get3A_56 = vector.load %arg13[%get3A_54, %get3A_55] : memref<3200x128xf32, #tpu.memory_space<vmem>>, vector<3200x128xf32>
    %dot_general3A_57 = arith.constant dense<0.000000e+00> : vector<1x128xf32>
    %dot_general3A_58 = tpu.matmul %broadcast_in_dim3A_53, %get3A_56, %dot_general3A_57 {dimension_numbers = #tpu.dot_dimension_numbers<[1], [0], [0], [1], [0, 0, 1, 1], [], []>, transpose_lhs_hint = false} : vector<1x3200xf32>, vector<3200x128xf32>, vector<1x128xf32> -> vector<1x128xf32>
    %max3A_59 = arith.constant 1.000000e-30 : f32
    %max3A_60 = vector.broadcast %max3A_59 : f32 to vector<1x128xf32>
    %max3A_61 = arith.maximumf %dot_general3A_58, %max3A_60 : vector<1x128xf32>
    %div3A = arith.constant 1.000000e+00 : f32
    %div3A_62 = vector.broadcast %div3A : f32 to vector<1x128xf32>
    %div3A_63 = arith.divf %div3A_62, %max3A_61 : vector<1x128xf32>
    %get3A_64 = arith.constant 0 : index
    %get3A_65 = arith.constant 0 : index
    %get3A_66 = vector.load %arg12[%get3A_64, %get3A_65] : memref<128x3200xf32, #tpu.memory_space<vmem>>, vector<128x3200xf32>
    %dot_general3A_67 = arith.constant dense<0.000000e+00> : vector<1x3200xf32>
    %dot_general3A_68 = tpu.matmul %div3A_63, %get3A_66, %dot_general3A_67 {dimension_numbers = #tpu.dot_dimension_numbers<[1], [0], [0], [1], [0, 0, 1, 1], [], []>, transpose_lhs_hint = false} : vector<1x128xf32>, vector<128x3200xf32>, vector<1x3200xf32> -> vector<1x3200xf32>
    %mul3A_69 = vector.broadcast %dot_general3A_68 : vector<1x3200xf32> to vector<8x3200xf32>
    %mul3A_70 = arith.mulf %exp3A, %mul3A_69 : vector<8x3200xf32>
    %transpose3A_71 = tpu.transpose %mul3A_70, [1, 0] : vector<8x3200xf32> -> vector<3200x8xf32>
    %get3A_72 = arith.constant 0 : index
    %get3A_73 = arith.constant 0 : index
    %get3A_74 = vector.load %arg10[%get3A_72, %get3A_73] : memref<8x128xf32, #tpu.memory_space<vmem>>, vector<8x128xf32>
    %dot_general3A_75 = arith.constant dense<0.000000e+00> : vector<3200x128xf32>
    %dot_general3A_76 = tpu.matmul %transpose3A_71, %get3A_74, %dot_general3A_75 {dimension_numbers = #tpu.dot_dimension_numbers<[1], [0], [0], [1], [0, 0, 1, 1], [], []>, transpose_lhs_hint = false} : vector<3200x8xf32>, vector<8x128xf32>, vector<3200x128xf32> -> vector<3200x128xf32>
    %mul3A_77 = arith.mulf %get3A_1, %dot_general3A_76 : vector<3200x128xf32>
    %get3A_78 = arith.constant 0 : index
    %get3A_79 = arith.constant 0 : index
    %get3A_80 = vector.load %arg12[%get3A_78, %get3A_79] : memref<128x3200xf32, #tpu.memory_space<vmem>>, vector<128x3200xf32>
    %dot_general3A_81 = arith.constant dense<0.000000e+00> : vector<128x128xf32>
    %dot_general3A_82 = tpu.matmul %get3A_80, %mul3A_77, %dot_general3A_81 {dimension_numbers = #tpu.dot_dimension_numbers<[1], [0], [0], [1], [0, 0, 1, 1], [], []>, transpose_lhs_hint = false} : vector<128x3200xf32>, vector<3200x128xf32>, vector<128x128xf32> -> vector<128x128xf32>
    %get3A_83 = arith.constant 0 : index
    %get3A_84 = arith.constant 0 : index
    %get3A_85 = vector.load %arg11[%get3A_83, %get3A_84] : memref<128x16xf32, #tpu.memory_space<vmem>>, vector<128x16xf32>
    %dot_general3A_86 = arith.constant dense<0.000000e+00> : vector<128x16xf32>
    %dot_general3A_87 = tpu.matmul %dot_general3A_82, %get3A_85, %dot_general3A_86 {dimension_numbers = #tpu.dot_dimension_numbers<[1], [0], [0], [1], [0, 0, 1, 1], [], []>, transpose_lhs_hint = false} : vector<128x128xf32>, vector<128x16xf32>, vector<128x16xf32> -> vector<128x16xf32>
    %get3A_88 = arith.constant 0 : index
    %get3A_89 = arith.constant 0 : index
    %get3A_90 = vector.load %arg4[%get3A_88, %get3A_89] : memref<128x8xf32, #tpu.memory_space<vmem>>, vector<128x8xf32>
    %get3A_91 = arith.constant 0 : index
    %get3A_92 = arith.constant 0 : index
    %get3A_93 = vector.load %arg14[%get3A_91, %get3A_92] : memref<8x64xf32, #tpu.memory_space<vmem>>, vector<8x64xf32>
    %dot_general3A_94 = arith.constant dense<0.000000e+00> : vector<128x64xf32>
    %dot_general3A_95 = tpu.matmul %get3A_90, %get3A_93, %dot_general3A_94 {dimension_numbers = #tpu.dot_dimension_numbers<[1], [0], [0], [1], [0, 0, 1, 1], [], []>, transpose_lhs_hint = false} : vector<128x8xf32>, vector<8x64xf32>, vector<128x64xf32> -> vector<128x64xf32>
    %get3A_96 = arith.constant 0 : index
    %get3A_97 = arith.constant 0 : index
    %get3A_98 = vector.load %arg15[%get3A_96, %get3A_97] : memref<1x64xf32, #tpu.memory_space<vmem>>, vector<1x64xf32>
    %add3A_99 = vector.broadcast %get3A_98 : vector<1x64xf32> to vector<128x64xf32>
    %add3A_100 = arith.addf %dot_general3A_95, %add3A_99 : vector<128x64xf32>
    %max3A_101 = arith.constant 0.000000e+00 : f32
    %max3A_102 = vector.broadcast %max3A_101 : f32 to vector<128x64xf32>
    %max3A_103 = arith.maximumf %add3A_100, %max3A_102 : vector<128x64xf32>
    %get3A_104 = arith.constant 0 : index
    %get3A_105 = arith.constant 0 : index
    %get3A_106 = vector.load %arg16[%get3A_104, %get3A_105] : memref<64x16xf32, #tpu.memory_space<vmem>>, vector<64x16xf32>
    %dot_general3A_107 = arith.constant dense<0.000000e+00> : vector<128x16xf32>
    %dot_general3A_108 = tpu.matmul %max3A_103, %get3A_106, %dot_general3A_107 {dimension_numbers = #tpu.dot_dimension_numbers<[1], [0], [0], [1], [0, 0, 1, 1], [], []>, transpose_lhs_hint = false} : vector<128x64xf32>, vector<64x16xf32>, vector<128x16xf32> -> vector<128x16xf32>
    %get3A_109 = arith.constant 0 : index
    %get3A_110 = arith.constant 0 : index
    %get3A_111 = vector.load %arg17[%get3A_109, %get3A_110] : memref<1x16xf32, #tpu.memory_space<vmem>>, vector<1x16xf32>
    %add3A_112 = vector.broadcast %get3A_111 : vector<1x16xf32> to vector<128x16xf32>
    %add3A_113 = arith.addf %dot_general3A_108, %add3A_112 : vector<128x16xf32>
    %max3A_114 = arith.constant 0.000000e+00 : f32
    %max3A_115 = vector.broadcast %max3A_114 : f32 to vector<128x16xf32>
    %max3A_116 = arith.maximumf %add3A_113, %max3A_115 : vector<128x16xf32>
    %get3A_117 = arith.constant 0 : index
    %get3A_118 = arith.constant 0 : index
    %get3A_119 = vector.load %arg5[%get3A_117, %get3A_118] : memref<128x20xf32, #tpu.memory_space<vmem>>, vector<128x20xf32>
    %get3A_120 = arith.constant 0 : index
    %get3A_121 = arith.constant 0 : index
    %get3A_122 = vector.load %arg18[%get3A_120, %get3A_121] : memref<20x16xf32, #tpu.memory_space<vmem>>, vector<20x16xf32>
    %dot_general3A_123 = arith.constant dense<0.000000e+00> : vector<128x16xf32>
    %dot_general3A_124 = tpu.matmul %get3A_119, %get3A_122, %dot_general3A_123 {dimension_numbers = #tpu.dot_dimension_numbers<[1], [0], [0], [1], [0, 0, 1, 1], [], []>, transpose_lhs_hint = false} : vector<128x20xf32>, vector<20x16xf32>, vector<128x16xf32> -> vector<128x16xf32>
    %get3A_125 = arith.constant 0 : index
    %get3A_126 = arith.constant 0 : index
    %get3A_127 = vector.load %arg19[%get3A_125, %get3A_126] : memref<1x16xf32, #tpu.memory_space<vmem>>, vector<1x16xf32>
    %add3A_128 = vector.broadcast %get3A_127 : vector<1x16xf32> to vector<128x16xf32>
    %add3A_129 = arith.addf %dot_general3A_124, %add3A_128 : vector<128x16xf32>
    %max3A_130 = arith.constant 0.000000e+00 : f32
    %max3A_131 = vector.broadcast %max3A_130 : f32 to vector<128x16xf32>
    %max3A_132 = arith.maximumf %add3A_129, %max3A_131 : vector<128x16xf32>
    %get3A_133 = arith.constant 0 : index
    %get3A_134 = arith.constant 0 : index
    %get3A_135 = vector.load %arg2[%get3A_133, %get3A_134] : memref<128x16xf32, #tpu.memory_space<vmem>>, vector<128x16xf32>
    %mul3A_136 = arith.mulf %get3A_135, %get3A_4 : vector<128x16xf32>
    %reduce_sum3A_137 = arith.constant dense<0.000000e+00> : vector<128xf32>
    %reduce_sum3A_138 = vector.multi_reduction <add>, %mul3A_136, %reduce_sum3A_137 [1] : vector<128x16xf32> to vector<128xf32>
    %broadcast_in_dim3A_139 = vector.shape_cast %reduce_sum3A_138 : vector<128xf32> to vector<128x1xf32>
    %mul3A_140 = arith.mulf %get3A_135, %dot_general3A_87 : vector<128x16xf32>
    %reduce_sum3A_141 = arith.constant dense<0.000000e+00> : vector<128xf32>
    %reduce_sum3A_142 = vector.multi_reduction <add>, %mul3A_140, %reduce_sum3A_141 [1] : vector<128x16xf32> to vector<128xf32>
    %broadcast_in_dim3A_143 = vector.shape_cast %reduce_sum3A_142 : vector<128xf32> to vector<128x1xf32>
    %mul3A_144 = arith.mulf %get3A_135, %max3A_116 : vector<128x16xf32>
    %reduce_sum3A_145 = arith.constant dense<0.000000e+00> : vector<128xf32>
    %reduce_sum3A_146 = vector.multi_reduction <add>, %mul3A_144, %reduce_sum3A_145 [1] : vector<128x16xf32> to vector<128xf32>
    %broadcast_in_dim3A_147 = vector.shape_cast %reduce_sum3A_146 : vector<128xf32> to vector<128x1xf32>
    %mul3A_148 = arith.mulf %get3A_135, %max3A_132 : vector<128x16xf32>
    %reduce_sum3A_149 = arith.constant dense<0.000000e+00> : vector<128xf32>
    %reduce_sum3A_150 = vector.multi_reduction <add>, %mul3A_148, %reduce_sum3A_149 [1] : vector<128x16xf32> to vector<128xf32>
    %broadcast_in_dim3A_151 = vector.shape_cast %reduce_sum3A_150 : vector<128xf32> to vector<128x1xf32>
    %mul3A_152 = arith.mulf %get3A_4, %dot_general3A_87 : vector<128x16xf32>
    %reduce_sum3A_153 = arith.constant dense<0.000000e+00> : vector<128xf32>
    %reduce_sum3A_154 = vector.multi_reduction <add>, %mul3A_152, %reduce_sum3A_153 [1] : vector<128x16xf32> to vector<128xf32>
    %broadcast_in_dim3A_155 = vector.shape_cast %reduce_sum3A_154 : vector<128xf32> to vector<128x1xf32>
    %mul3A_156 = arith.mulf %get3A_4, %max3A_116 : vector<128x16xf32>
    %reduce_sum3A_157 = arith.constant dense<0.000000e+00> : vector<128xf32>
    %reduce_sum3A_158 = vector.multi_reduction <add>, %mul3A_156, %reduce_sum3A_157 [1] : vector<128x16xf32> to vector<128xf32>
    %broadcast_in_dim3A_159 = vector.shape_cast %reduce_sum3A_158 : vector<128xf32> to vector<128x1xf32>
    %mul3A_160 = arith.mulf %get3A_4, %max3A_132 : vector<128x16xf32>
    %reduce_sum3A_161 = arith.constant dense<0.000000e+00> : vector<128xf32>
    %reduce_sum3A_162 = vector.multi_reduction <add>, %mul3A_160, %reduce_sum3A_161 [1] : vector<128x16xf32> to vector<128xf32>
    %broadcast_in_dim3A_163 = vector.shape_cast %reduce_sum3A_162 : vector<128xf32> to vector<128x1xf32>
    %mul3A_164 = arith.mulf %dot_general3A_87, %max3A_116 : vector<128x16xf32>
    %reduce_sum3A_165 = arith.constant dense<0.000000e+00> : vector<128xf32>
    %reduce_sum3A_166 = vector.multi_reduction <add>, %mul3A_164, %reduce_sum3A_165 [1] : vector<128x16xf32> to vector<128xf32>
    %broadcast_in_dim3A_167 = vector.shape_cast %reduce_sum3A_166 : vector<128xf32> to vector<128x1xf32>
    %mul3A_168 = arith.mulf %dot_general3A_87, %max3A_132 : vector<128x16xf32>
    %reduce_sum3A_169 = arith.constant dense<0.000000e+00> : vector<128xf32>
    %reduce_sum3A_170 = vector.multi_reduction <add>, %mul3A_168, %reduce_sum3A_169 [1] : vector<128x16xf32> to vector<128xf32>
    %broadcast_in_dim3A_171 = vector.shape_cast %reduce_sum3A_170 : vector<128xf32> to vector<128x1xf32>
    %mul3A_172 = arith.mulf %max3A_116, %max3A_132 : vector<128x16xf32>
    %reduce_sum3A_173 = arith.constant dense<0.000000e+00> : vector<128xf32>
    %reduce_sum3A_174 = vector.multi_reduction <add>, %mul3A_172, %reduce_sum3A_173 [1] : vector<128x16xf32> to vector<128xf32>
    %broadcast_in_dim3A_175 = vector.shape_cast %reduce_sum3A_174 : vector<128xf32> to vector<128x1xf32>
    %concatenate3A_176 = tpu.concatenate %broadcast_in_dim3A_139, %broadcast_in_dim3A_143, %broadcast_in_dim3A_147, %broadcast_in_dim3A_151, %broadcast_in_dim3A_155, %broadcast_in_dim3A_159, %broadcast_in_dim3A_163, %broadcast_in_dim3A_167, %broadcast_in_dim3A_171, %broadcast_in_dim3A_175, %get3A_135, %get3A_4, %dot_general3A_87, %max3A_116, %max3A_132 in 1 : vector<128x1xf32>, vector<128x1xf32>, vector<128x1xf32>, vector<128x1xf32>, vector<128x1xf32>, vector<128x1xf32>, vector<128x1xf32>, vector<128x1xf32>, vector<128x1xf32>, vector<128x1xf32>, vector<128x16xf32>, vector<128x16xf32>, vector<128x16xf32>, vector<128x16xf32>, vector<128x16xf32> -> vector<128x90xf32>
    %get3A_177 = arith.constant 0 : index
    %get3A_178 = arith.constant 0 : index
    %get3A_179 = vector.load %arg20[%get3A_177, %get3A_178] : memref<90x256xf32, #tpu.memory_space<vmem>>, vector<90x256xf32>
    %dot_general3A_180 = arith.constant dense<0.000000e+00> : vector<128x256xf32>
    %dot_general3A_181 = tpu.matmul %concatenate3A_176, %get3A_179, %dot_general3A_180 {dimension_numbers = #tpu.dot_dimension_numbers<[1], [0], [0], [1], [0, 0, 1, 1], [], []>, transpose_lhs_hint = false} : vector<128x90xf32>, vector<90x256xf32>, vector<128x256xf32> -> vector<128x256xf32>
    %get3A_182 = arith.constant 0 : index
    %get3A_183 = arith.constant 0 : index
    %get3A_184 = vector.load %arg21[%get3A_182, %get3A_183] : memref<1x256xf32, #tpu.memory_space<vmem>>, vector<1x256xf32>
    %add3A_185 = vector.broadcast %get3A_184 : vector<1x256xf32> to vector<128x256xf32>
    %add3A_186 = arith.addf %dot_general3A_181, %add3A_185 : vector<128x256xf32>
    %max3A_187 = arith.constant 0.000000e+00 : f32
    %max3A_188 = vector.broadcast %max3A_187 : f32 to vector<128x256xf32>
    %max3A_189 = arith.maximumf %add3A_186, %max3A_188 : vector<128x256xf32>
    %get3A_190 = arith.constant 0 : index
    %get3A_191 = arith.constant 0 : index
    %get3A_192 = vector.load %arg22[%get3A_190, %get3A_191] : memref<256x128xf32, #tpu.memory_space<vmem>>, vector<256x128xf32>
    %dot_general3A_193 = arith.constant dense<0.000000e+00> : vector<128x128xf32>
    %dot_general3A_194 = tpu.matmul %max3A_189, %get3A_192, %dot_general3A_193 {dimension_numbers = #tpu.dot_dimension_numbers<[1], [0], [0], [1], [0, 0, 1, 1], [], []>, transpose_lhs_hint = false} : vector<128x256xf32>, vector<256x128xf32>, vector<128x128xf32> -> vector<128x128xf32>
    %get3A_195 = arith.constant 0 : index
    %get3A_196 = arith.constant 0 : index
    %get3A_197 = vector.load %arg23[%get3A_195, %get3A_196] : memref<1x128xf32, #tpu.memory_space<vmem>>, vector<1x128xf32>
    %add3A_198 = vector.broadcast %get3A_197 : vector<1x128xf32> to vector<128x128xf32>
    %add3A_199 = arith.addf %dot_general3A_194, %add3A_198 : vector<128x128xf32>
    %max3A_200 = arith.constant 0.000000e+00 : f32
    %max3A_201 = vector.broadcast %max3A_200 : f32 to vector<128x128xf32>
    %max3A_202 = arith.maximumf %add3A_199, %max3A_201 : vector<128x128xf32>
    %get3A_203 = arith.constant 0 : index
    %get3A_204 = arith.constant 0 : index
    %get3A_205 = vector.load %arg24[%get3A_203, %get3A_204] : memref<128x1xf32, #tpu.memory_space<vmem>>, vector<128x1xf32>
    %dot_general3A_206 = arith.constant dense<0.000000e+00> : vector<128x1xf32>
    %dot_general3A_207 = tpu.matmul %max3A_202, %get3A_205, %dot_general3A_206 {dimension_numbers = #tpu.dot_dimension_numbers<[1], [0], [0], [1], [0, 0, 1, 1], [], []>, transpose_lhs_hint = false} : vector<128x128xf32>, vector<128x1xf32>, vector<128x1xf32> -> vector<128x1xf32>
    %get3A_208 = arith.constant 0 : index
    %get3A_209 = arith.constant 0 : index
    %get3A_210 = vector.load %arg25[%get3A_208, %get3A_209] : memref<1x1xf32, #tpu.memory_space<vmem>>, vector<1x1xf32>
    %get3A_211 = vector.extract %get3A_210[0, 0] : f32 from vector<1x1xf32>
    %add3A_212 = vector.broadcast %get3A_211 : f32 to vector<128x1xf32>
    %add3A_213 = arith.addf %dot_general3A_207, %add3A_212 : vector<128x1xf32>
    %swap3A = arith.constant 0 : index
    %swap3A_214 = arith.constant 0 : index
    %swap3A_215 = vector.load %arg26[%swap3A, %swap3A_214] : memref<128x1xf32, #tpu.memory_space<vmem>>, vector<128x1xf32>
    tpu.vector_store %arg26[%swap3A, %swap3A_214], %add3A_213 {strides = array<i32>} : memref<128x1xf32, #tpu.memory_space<vmem>>, vector<128x1xf32>,
    return
  }
  func.func @transform_0(%arg0: i32) -> (i32, i32) {
    %c0_i32 = arith.constant 0 : i32
    %c0_i32_0 = arith.constant 0 : i32
    return %arg0, %c0_i32 : i32, i32
  }
  func.func @transform_1(%arg0: i32) -> (i32, i32) {
    %c0_i32 = arith.constant 0 : i32
    %c0_i32_0 = arith.constant 0 : i32
    return %arg0, %c0_i32 : i32, i32
  }
  func.func @transform_2(%arg0: i32) -> (i32, i32) {
    %c0_i32 = arith.constant 0 : i32
    %c0_i32_0 = arith.constant 0 : i32
    return %arg0, %c0_i32 : i32, i32
  }
  func.func @transform_3(%arg0: i32) -> (i32, i32) {
    %c0_i32 = arith.constant 0 : i32
    %c0_i32_0 = arith.constant 0 : i32
    return %arg0, %c0_i32 : i32, i32
  }
  func.func @transform_4(%arg0: i32) -> (i32, i32) {
    %c0_i32 = arith.constant 0 : i32
    %c0_i32_0 = arith.constant 0 : i32
    return %arg0, %c0_i32 : i32, i32
  }
  func.func @transform_5(%arg0: i32) -> (i32, i32) {
    %c0_i32 = arith.constant 0 : i32
    %c0_i32_0 = arith.constant 0 : i32
    %c0_i32_1 = arith.constant 0 : i32
    return %c0_i32, %c0_i32_0 : i32, i32
  }
  func.func @transform_6(%arg0: i32) -> (i32, i32) {
    %c0_i32 = arith.constant 0 : i32
    %c0_i32_0 = arith.constant 0 : i32
    %c0_i32_1 = arith.constant 0 : i32
    return %c0_i32, %c0_i32_0 : i32, i32
  }
  func.func @transform_7(%arg0: i32) -> (i32, i32) {
    %c0_i32 = arith.constant 0 : i32
    %c0_i32_0 = arith.constant 0 : i32
    %c0_i32_1 = arith.constant 0 : i32
    return %c0_i32, %c0_i32_0 : i32, i32
  }
  func.func @transform_8(%arg0: i32) -> (i32, i32) {
    %c0_i32 = arith.constant 0 : i32
    %c0_i32_0 = arith.constant 0 : i32
    %c0_i32_1 = arith.constant 0 : i32
    return %c0_i32, %c0_i32_0 : i32, i32
  }
  func.func @transform_9(%arg0: i32) -> (i32, i32) {
    %c0_i32 = arith.constant 0 : i32
    %c0_i32_0 = arith.constant 0 : i32
    %c0_i32_1 = arith.constant 0 : i32
    return %c0_i32, %c0_i32_0 : i32, i32
  }
  func.func @transform_10(%arg0: i32) -> (i32, i32) {
    %c0_i32 = arith.constant 0 : i32
    %c0_i32_0 = arith.constant 0 : i32
    %c0_i32_1 = arith.constant 0 : i32
    return %c0_i32, %c0_i32_0 : i32, i32
  }
  func.func @transform_11(%arg0: i32) -> (i32, i32) {
    %c0_i32 = arith.constant 0 : i32
    %c0_i32_0 = arith.constant 0 : i32
    %c0_i32_1 = arith.constant 0 : i32
    return %c0_i32, %c0_i32_0 : i32, i32
  }
  func.func @transform_12(%arg0: i32) -> (i32, i32) {
    %c0_i32 = arith.constant 0 : i32
    %c0_i32_0 = arith.constant 0 : i32
    %c0_i32_1 = arith.constant 0 : i32
    return %c0_i32, %c0_i32_0 : i32, i32
  }
  func.func @transform_13(%arg0: i32) -> (i32, i32) {
    %c0_i32 = arith.constant 0 : i32
    %c0_i32_0 = arith.constant 0 : i32
    %c0_i32_1 = arith.constant 0 : i32
    return %c0_i32, %c0_i32_0 : i32, i32
  }
  func.func @transform_14(%arg0: i32) -> (i32, i32) {
    %c0_i32 = arith.constant 0 : i32
    %c0_i32_0 = arith.constant 0 : i32
    %c0_i32_1 = arith.constant 0 : i32
    return %c0_i32, %c0_i32_0 : i32, i32
  }
  func.func @transform_15(%arg0: i32) -> (i32, i32) {
    %c0_i32 = arith.constant 0 : i32
    %c0_i32_0 = arith.constant 0 : i32
    %c0_i32_1 = arith.constant 0 : i32
    return %c0_i32, %c0_i32_0 : i32, i32
  }
  func.func @transform_16(%arg0: i32) -> (i32, i32) {
    %c0_i32 = arith.constant 0 : i32
    %c0_i32_0 = arith.constant 0 : i32
    %c0_i32_1 = arith.constant 0 : i32
    return %c0_i32, %c0_i32_0 : i32, i32
  }
  func.func @transform_17(%arg0: i32) -> (i32, i32) {
    %c0_i32 = arith.constant 0 : i32
    %c0_i32_0 = arith.constant 0 : i32
    %c0_i32_1 = arith.constant 0 : i32
    return %c0_i32, %c0_i32_0 : i32, i32
  }
  func.func @transform_18(%arg0: i32) -> (i32, i32) {
    %c0_i32 = arith.constant 0 : i32
    %c0_i32_0 = arith.constant 0 : i32
    %c0_i32_1 = arith.constant 0 : i32
    return %c0_i32, %c0_i32_0 : i32, i32
  }
  func.func @transform_19(%arg0: i32) -> (i32, i32) {
    %c0_i32 = arith.constant 0 : i32
    %c0_i32_0 = arith.constant 0 : i32
    %c0_i32_1 = arith.constant 0 : i32
    return %c0_i32, %c0_i32_0 : i32, i32
  }
  func.func @transform_20(%arg0: i32) -> (i32, i32) {
    %c0_i32 = arith.constant 0 : i32
    %c0_i32_0 = arith.constant 0 : i32
    %c0_i32_1 = arith.constant 0 : i32
    return %c0_i32, %c0_i32_0 : i32, i32
  }
  func.func @transform_21(%arg0: i32) -> (i32, i32) {
    %c0_i32 = arith.constant 0 : i32
    %c0_i32_0 = arith.constant 0 : i32
    %c0_i32_1 = arith.constant 0 : i32
    return %c0_i32, %c0_i32_0 : i32, i32
  }
  func.func @transform_22(%arg0: i32) -> (i32, i32) {
    %c0_i32 = arith.constant 0 : i32
    %c0_i32_0 = arith.constant 0 : i32
    %c0_i32_1 = arith.constant 0 : i32
    return %c0_i32, %c0_i32_0 : i32, i32
  }
  func.func @transform_23(%arg0: i32) -> (i32, i32) {
    %c0_i32 = arith.constant 0 : i32
    %c0_i32_0 = arith.constant 0 : i32
    %c0_i32_1 = arith.constant 0 : i32
    return %c0_i32, %c0_i32_0 : i32, i32
  }
  func.func @transform_24(%arg0: i32) -> (i32, i32) {
    %c0_i32 = arith.constant 0 : i32
    %c0_i32_0 = arith.constant 0 : i32
    %c0_i32_1 = arith.constant 0 : i32
    return %c0_i32, %c0_i32_0 : i32, i32
  }
  func.func @transform_25(%arg0: i32) -> (i32, i32) {
    %c0_i32 = arith.constant 0 : i32
    %c0_i32_0 = arith.constant 0 : i32
    return %arg0, %c0_i32 : i32, i32
  }
}

</mosaic_0001>

<sc_bundles>
// kernel: kernel.4.cloned.1.call-start
scs
__scs_entry_jumppad:
0x0: {  	(pc) =	sbr.rel $0x88, $3  }
0x1: {  	(tag) =	ssettag $0x0;
	lr =	simm.s32 $0x1  }
0x2: {  	[smem:$0x3F8A] =	sst lr;
	_ =	strace $0xD0000000  }
0x3: {  	_ = 	snop  }
0x4: {  	_ = 	snop  }
0x5: {  	_ = 	snop  }
0x6: {  	_ = 	snop  }
0x7: {  	_ = 	snop  }
__scs_overlays_trampoline_lowered:
0x8: {  	[smem:$0x3F99] =	sst s0  }
0x9: {  	[smem:$0x3F9A] =	sst s1  }
0xa: {  	[smem:$0x3F9B] =	sst s2  }
0xb: {  	[smem:$0x3F9C] =	sst s3  }
0xc: {  	[smem:$0x3F9D] =	sst s4  }
0xd: {  	[smem:$0x3F9E] =	sst s5  }
0xe: {  	[smem:$0x3F9F] =	sst s6  }
0xf: {  	[smem:$0x3FA0] =	sst s7  }
0x10: {  	[smem:$0x3FA1] =	sst s8  }
0x11: {  	[smem:$0x3FA2] =	sst s9;
	s0 =	simm.s32 @!p0 $0x0  }
0x12: {  	s1 =	sld [smem:$0x3F88];
	s0 =	simm.s32 @p0 $0x1  }
0x13: {  	[smem:$0x3FA3] =	sst s0;
	s0 =	simm.s32 @!p1 $0x0  }
0x14: {  	s2 =	sld [smem:$0x3F87];
	s0 =	simm.s32 @p1 $0x1  }
0x15: {  	[smem:$0x3FA4] =	sst s0;
	s0 =	simm.s32 @!p2 $0x0  }
0x16: {  	s3 =	sld [smem:$0x3FDB];
	s0 =	simm.s32 @p2 $0x1  }
0x17: {  	s4 =	simm.s32 $0x1BF5;
	[smem:$0x3FA6] =	sst s0  }
0x18: {  	s0 =	sld [smem:$0x3F89];
	_ =	swait.ge [sflag:s4], $0x0  }
0x19: {  	s7 =	sld [smem:$0x3F8A]  }
0x1a: {  	s8 =	sadd.s32 $0xFFFFE003, lr  }
0x1b: {  	s9 =	sadd.s32 $0xFFFFFEF7, lr;
	s5 =	simm.s32 $0xFFFFFFFF;
	p2 =	slt.u32 s8, $0xFFFFF086  }
0x1c: {  	p1 =	slt.u32 s9, $0xF7A;
	s5 =	simm.s32 @!p2 $0x0  }
0x1d: {  	s5 =	simm.s32 @p1 $0x1;
	p0 =	seq.s32 s7, s2  }
0x1e: {  	s7 =	smul.u32 @!p0 $0xF7A, s2;
	p2 =	seq.s32 @!p0 s5, $0x0  }
0x1f: {  	s9 =	smul.u32 $0xF7A, s1;
	s8 =	simm.s32 @!p0 $0x1BF5;
	p2 =	por !p2, p0  }
0x20: {  	[sflag:s8] =	ssyncset.s32 @!p0 $0xFFFFF086;
	s6 =	sadd.s32 @!p0 s3, s7;
	s7 =	simm.s32 @!p0 $0x108  }
0x21: {  	s3 =	sadd.s32 s3, s9;
	s6 =	sadd.s32 @!p0 $0x88, s6;
	s7 =	simm.s32 @p2 $0x1082  }
0x22: {  	[simem:s7], [sflag:s8] =	dma.local @!p0 [hbm:s6], $0xF7A  }
0x23: {  	s9 =	sor.u32 $0xD0000000, s2;
	s6 =	simm.s32 $0x108;
	_ =	swait.ge @!p0 [sflag:s8], $0x0  }
0x24: {  	s3 =	sadd.s32 $0x88, s3;
	s6 =	simm.s32 @!p1 $0x1082;
	[sflag:s4] =	ssyncset.s32 $0xFFFFF086  }
0x25: {  	[simem:s6], [sflag:s4] =	dma.local [hbm:s3], $0xF7A  }
0x26: {  	[smem:$0x3F8A] =	sst s1;
	(tag) =	ssettag s2;
	_ =	strace s9  }
0x27: {  	s1 =	sld [smem:$0x3F9A]  }
0x28: {  	s2 =	sld [smem:$0x3F9B]  }
0x29: {  	s4 =	sld [smem:$0x3F9D]  }
0x2a: {  	p0 =	seq.s32 s5, $0x0;
	s5 =	sld [smem:$0x3F9E]  }
0x2b: {  	s6 =	sld [smem:$0x3F9F]  }
0x2c: {  	s7 =	sld [smem:$0x3FA0]  }
0x2d: {  	s3 =	simm.s32 $0x108;
	s8 =	sld [smem:$0x3FA1]  }
0x2e: {  	s3 =	simm.s32 @!p0 $0x1082;
	s9 =	sld [smem:$0x3FA2]  }
0x2f: {  	lr =	sadd.s32 s0, s3;
	s0 =	sld [smem:$0x3F99]  }
0x30: {  	s3 =	sld [smem:$0x3F9C]  }
0x31: {  	[smem:$0x3FA5] =	sst s10  }
0x32: {  	s10 =	sld [smem:$0x3FA3];
	_ =	sdelay $0x3  }
0x33: {  	p0 =	seq.s32 s10, $0x1;
	s10 =	sld [smem:$0x3FA5];
	_ =	sdelay $0x3  }
0x34: {  	[smem:$0x3FA5] =	sst s10  }
0x35: {  	s10 =	sld [smem:$0x3FA4];
	_ =	sdelay $0x3  }
0x36: {  	p1 =	seq.s32 s10, $0x1;
	s10 =	sld [smem:$0x3FA5];
	_ =	sdelay $0x3  }
0x37: {  	[smem:$0x3FA5] =	sst s10  }
0x38: {  	s10 =	sld [smem:$0x3FA6]  }
0x39: {  	_ = 	snop;
	(pc) =	sbr.ind lr, $3  }
0x3a: {  	_ = 	snop  }
0x3b: {  	_ = 	snop  }
0x3c: {  	p2 =	seq.s32 s10, $0x1;
	s10 =	sld [smem:$0x3FA5]  }
0x3d: {  	_ =	shalt  }
0x3e: {  	_ =	shalt  }
0x3f: {  	_ =	shalt  }
0x40: {  	_ =	shalt  }
0x41: {  	_ =	shalt  }
0x42: {  	_ =	shalt  }
0x43: {  	_ =	shalt  }
0x44: {  	_ =	shalt  }
0x45: {  	_ =	shalt  }
0x46: {  	_ =	shalt  }
0x47: {  	_ =	shalt  }
0x48: {  	_ =	shalt  }
0x49: {  	_ =	shalt  }
0x4a: {  	_ =	shalt  }
0x4b: {  	_ =	shalt  }
0x4c: {  	_ =	shalt  }
0x4d: {  	_ =	shalt  }
0x4e: {  	_ =	shalt  }
0x4f: {  	_ =	shalt  }
0x50: {  	_ =	shalt  }
0x51: {  	_ =	shalt  }
0x52: {  	_ =	shalt  }
0x53: {  	_ =	shalt  }
0x54: {  	_ =	shalt  }
0x55: {  	_ =	shalt  }
0x56: {  	_ =	shalt  }
0x57: {  	_ =	shalt  }
0x58: {  	_ =	shalt  }
0x59: {  	_ =	shalt  }
0x5a: {  	_ =	shalt  }
0x5b: {  	_ =	shalt  }
0x5c: {  	_ =	shalt  }
0x5d: {  	_ =	shalt  }
0x5e: {  	_ =	shalt  }
0x5f: {  	_ =	shalt  }
0x60: {  	_ =	shalt  }
0x61: {  	_ =	shalt  }
0x62: {  	_ =	shalt  }
0x63: {  	_ =	shalt  }
0x64: {  	_ =	shalt  }
0x65: {  	_ =	shalt  }
0x66: {  	_ =	shalt  }
0x67: {  	_ =	shalt  }
0x68: {  	_ =	shalt  }
0x69: {  	_ =	shalt  }
0x6a: {  	_ =	shalt  }
0x6b: {  	_ =	shalt  }
0x6c: {  	_ =	shalt  }
0x6d: {  	_ =	shalt  }
0x6e: {  	_ =	shalt  }
0x6f: {  	_ =	shalt  }
0x70: {  	_ =	shalt  }
0x71: {  	_ =	shalt  }
0x72: {  	_ =	shalt  }
0x73: {  	_ =	shalt  }
0x74: {  	_ =	shalt  }
0x75: {  	_ =	shalt  }
0x76: {  	_ =	shalt  }
0x77: {  	_ =	shalt  }
0x78: {  	_ =	shalt  }
0x79: {  	_ =	shalt  }
0x7a: {  	_ =	shalt  }
0x7b: {  	_ =	shalt  }
0x7c: {  	_ =	shalt  }
0x7d: {  	_ =	shalt  }
0x7e: {  	_ =	shalt  }
0x7f: {  	_ =	shalt  }
0x80: {  	_ =	shalt  }
0x81: {  	_ =	shalt  }
0x82: {  	_ =	shalt  }
0x83: {  	_ =	shalt  }
0x84: {  	_ =	shalt  }
0x85: {  	_ =	shalt  }
0x86: {  	_ =	shalt  }
0x87: {  	_ =	shalt  }
.Lfunc_end0:
.L_simem_size_0:
called_computation_lowered:
.L_overlay_start_0:
0x88: {  	s2 =	sld [smem:$0x3FD9]  }
0x89: {  	s3 =	sld [smem:$0x3FFE];
	_ =	sdelay $0x1  }
0x8a: {  	s1 =	srdreg.scid  }
0x8b: {  	s0 =	sand.u32 $0x1, s1  }
0x8c: {  	s17 =	sshll.u32 s0, $0xA;
	s2 =	sadd.s32 s3, s2  }
0x8d: {  	s2 =	sadd.s32 s2, s17  }
0x8e: {  	[smem:$0x3FB1] =	sst s2  }
0x8f: {  	_ = 	snop  }
0x90: {  	s2 =	sld [smem:$0x3FC9]  }
0x91: {  	s18 =	sld [smem:$0x3FC8];
	(tm) =	ssettm $0x1  }
0x92: {  	s4 =	sld [smem:$0x3FFB];
	_ =	sdelay $0x3  }
0x93: {  	_ =	strace s4  }
0x94: {  	s4 =	sld [smem:$0x3FFC];
	_ =	sdelay $0x3  }
0x95: {  	_ =	strace s4  }
0x96: {  	s4 =	sld [smem:$0x3FFD];
	_ =	sdelay $0x3  }
0x97: {  	_ =	strace s4  }
0x98: {  	_ =	strace $0x8FFFFFFF  }
0x99: {  	s19 =	sld [smem:$0x3FDB];
	_ =	sdelay $0x1  }
0x9a: {  	s5 =	simm.s32 $_scs_section_size  }
0x9b: {  	s6 =	simm.s32 $_size__tile_overlayer_lowered;
	s7 =	simm.s32 $_tile_overlayer_lowered  }
0x9c: {  	s22 =	simm.s32 $0x1BFF;
	s21 =	sshll.u32 s7, $0x1;
	s4 =	sadd.s32 s5, s19  }
0x9d: {  	s8 =	simm.s32 $0x0;
	s20 =	sshll.u32 s6, $0x1;
	s6 =	sadd.s32 s21, s4  }
0x9e: {  	[timem:s8], [sflag:s22] =	dma.local [hbm:s6], s20  }
0x9f: {  	_ =	swait.ge [sflag:s22], s20  }
0xa0: {  	s5 =	ssub.s32 $0x0, s20;
	[sflag:s22] =	ssyncset.done $0x0  }
0xa1: {  	[sflag:s22] =	ssyncadd.s32 s5;
	_ =	sdelay $0x1  }
0xa2: {  	s23 =	simm.s32 $0x1B8B  }
0xa3: {  	_ =	swait.ge [sflag:s23], $0x1  }
0xa4: {  	[sflag:s23] =	ssyncset.done $0x0  }
0xa5: {  	s25 =	simm.s32 $0x1B8E;
	s24 =	sld [smem:$0x3FFE];
	[sflag:s23] =	ssyncadd.s32 $0xFFFFFFFF  }
0xa6: {  	s26 =	simm.s32 $execute0_lowered;
	[smem:$0x3FD2] =	sst s25  }
0xa7: {  	s6 =	sshll.u32 s26, $0x1;
	_ =	strace $0x80000046;
	[dreg:$0x1] =	wrdreg $0xFFFFFFFF  }
0xa8: {  	s28 =	simm.s32 $_size_execute0_lowered;
	s4 =	sadd.s32 s4, s6;
	[dreg:$0x0] =	wrdreg $0x0  }
0xa9: {  	s6 =	sshll.u32 s28, $0x1;
	[dreg:$0x2] =	wrdreg s4  }
0xaa: {  	[dreg:$0x3] =	wrdreg s6  }
0xab: {  	[dreg:$0x4] =	wrdreg $0xC0  }
0xac: {  	_ =	task [dreg:s8], $0x5FFFF  }
0xad: {  	[dreg:$0x1] =	wrdreg $0xFFFFFFFF  }
0xae: {  	[dreg:$0x0] =	wrdreg $0x60  }
0xaf: {  	[dreg:$0x2] =	wrdreg s24  }
0xb0: {  	[dreg:$0x3] =	wrdreg s2  }
0xb1: {  	[dreg:$0x4] =	wrdreg s18  }
0xb2: {  	[dreg:$0x5] =	wrdreg $0x9  }
0xb3: {  	_ =	task.clear_ibuf [dreg:s8], $0x6FFFF;
	_ =	strace $0x90000046  }
0xb4: {  	s29 =	simm.s32 $0x9;
	_ =	strace $0x80000048  }
0xb5: {  	_ =	swait.ge [sflag:s29], $0x1  }
0xb6: {  	[sflag:s29] =	ssyncadd.s32 $0xFFFFFFFF  }
0xb7: {  	_ =	strace $0x90000048  }
0xb8: {  	_ =	sfence  }
0xb9: {  	s30 =	sld [smem:$0x0];
	_ =	sdelay $0x2  }
0xba: {  	s31 =	sshll.u32 s1, $0xD;
	s1 =	sshrl.u32 s1, $0x2  }
0xbb: {  	s3 =	sand.u32 $0x4000, s31;
	s1 =	sadd.s32 s1, s30  }
0xbc: {  	s0 =	sor.u32 s3, s0;
	s1 =	sshll.u32 s1, $0x11  }
0xbd: {  	s0 =	sor.u32 s1, s0  }
0xbe: {  	s0 =	sadd.s32 $0x8F2B, s0  }
0xbf: {  	[sflag:s0] =	ssyncadd.remote.s32 $0x1  }
0xc0: {  	_ =	sfence.sel $0xFFFF  }
0xc1: {  	[dreg:$0x0] =	wrdreg $0xFFFFFFFF;
	(pc) =	sbr.abs _section_cstart, $3  }
0xc2: {  	[dreg:$0x1] =	wrdreg $0xFFFFFFFF  }
0xc3: {  	_ =	task.clear_ibuf [dreg:s8], $0x2FFFF;
	_ =	strace $0x9FFFFFFF  }
0xc4: {  	(tm) =	ssettm $0x7FFFFFFF  }
0xc5: {  	_ =	shalt  }
tec
execute0_lowered:
.L_overlay_start_1:
0x0: {  	(tag) =	ssettag $0x1  }
0x1: {  	s1 =	rddreg [dreg:$0x0]  }
0x2: {  	s0 =	srdreg.scid;
	s4 =	rddreg [dreg:$0x1]  }
0x3: {  	s8 =	stileid.u32;
	s6 =	rddreg [dreg:$0x2];
	s2 =	simm.s32 $0x0  }
0x4: {  	s18 =	simm.s32 $0x200;
	s19 =	simm.s32 $0x2800;
	s20 =	simm.s32 $0x280  }
0x5: {  	s21 =	simm.s32 $0x3000;
	s22 =	simm.s32 $0x300;
	s23 =	simm.s32 $0x3800  }
0x6: {  	s24 =	simm.s32 $0x380;
	[smem:$0x7FF] =	sst s2;
	s9 =	sadd.s32 $0x1315C00, s1  }
0x7: {  	s11 =	sadd.s32 $0x112D600, s1;
	_ =	strace $0x80000047;
	[dreg:$0xe] =	wrdreg s9  }
0x8: {  	s25 =	simm.s32 $0x4000;
	s28 =	simm.s32 $0x600;
	[dreg:$0xf] =	wrdreg s11  }
0x9: {  	s29 =	simm.s32 $0x6800;
	s30 =	simm.s32 $0x680;
	[dreg:$0x5] =	wrdreg s18  }
0xa: {  	s31 =	simm.s32 $0x7000;
	s3 =	smul.u32 $0x32000, s8;
	[dreg:$0x6] =	wrdreg s19  }
0xb: {  	s0 =	sand.u32 $0x1, s0;
	s7 =	smul.u32 $0x64000, s8;
	[dreg:$0x7] =	wrdreg s20  }
0xc: {  	s8 =	sshll.u32 s8, $0x1;
	s5 =	smul.u32 $0x19000, s0;
	[dreg:$0x8] =	wrdreg s21  }
0xd: {  	s8 =	sor.u32 s0, s8;
	s10 =	ssub.s32 $0x2, s0;
	[dreg:$0x9] =	wrdreg s22  }
0xe: {  	s0 =	smul.u32 $0x32000, s0;
	s19 =	simm.s32 $0x1000;
	[dreg:$0xa] =	wrdreg s23  }
0xf: {  	s20 =	simm.s32 $0x100;
	s21 =	simm.s32 $0x1800;
	[dreg:$0xb] =	wrdreg s24  }
0x10: {  	s22 =	simm.s32 $0x180;
	s23 =	simm.s32 $0x2000;
	[dreg:$0xc] =	wrdreg s25  }
0x11: {  	s24 =	simm.s32 $0x5800;
	s25 =	simm.s32 $0x580;
	s7 =	sadd.s32 s7, s1  }
0x12: {  	s12 =	sshll.u32 s8, $0xA;
	s13 =	sshrl.u32 s10, $0x1;
	s8 =	sshll.u32 s8, $0x6  }
0x13: {  	s3 =	sadd.s32 s5, s3;
	s9 =	ssub.s32 s10, s13;
	s4 =	sadd.s32 s4, s8  }
0x14: {  	s15 =	sadd.s32 s6, s8;
	s0 =	sadd.s32 s0, s7;
	s13 =	simm.s32 $0x80  }
0x15: {  	s6 =	simm.s32 $0x780;
	s7 =	simm.s32 $0x8000;
	[dreg:$0x10] =	wrdreg s4  }
0x16: {  	s8 =	simm.s32 $0x1;
	s3 =	sshrl.u32 s3, $0x3;
	[dreg:$0x12] =	wrdreg s15  }
0x17: {  	s16 =	smax.u32 s9, $0x1;
	s0 =	sadd.s32 $0x76A00, s0;
	s26 =	sadd.s32 s3, s1  }
0x18: {  	s3 =	sadd.s32 $0xF45000, s1;
	s1 =	sadd.s32 s12, s1;
	[dreg:$0x14] =	wrdreg s16  }
0x19: {  	s5 =	simm.s32 $0x0;
	[dreg:$0x15] =	wrdreg s0;
	s14 =	sadd.s32 $0x6EA00, s1  }
0x1a: {  	s12 =	simm.s32 $0x2;
	s1 =	sadd.s32 $0x66A00, s1;
	[dreg:$0x11] =	wrdreg s14  }
0x1b: {  	s0 =	simm.s32 $0x7800;
	s17 =	sadd.s32 $0x2A00, s26;
	[dreg:$0x13] =	wrdreg s1  }
0x1c: {  	s26 =	simm.s32 $0x400;
	[dreg:$0x4] =	wrdreg s17;
	s14 =	simm.s32 $0x800  }
0x1d: {  	[dreg:$0xd] =	wrdreg s26;
	s26 =	simm.s32 $0x6000;
	s1 =	simm.s32 $0x700  }
.LBB2_1:
0x1e: {  	s4 =	rddreg [dreg:$0x4]  }
0x1f: {  	[dreg:$0x16] =	wrdreg s5;
	s4 =	sadd.s32 $0x0, s4  }
0x20: {  	[tilespmem:s2], [sflag:$0x2] =	stream.linear.gather [hbm4b:s4+s2], $0x800, $0x38;
	[tilespmem:$0x8800] =	vst v63  }
0x21: {  	_ =	swait.ge [sflag:s12], $0x800  }
0x22: {  	[sflag:s12] =	ssyncset.done $0x0  }
0x23: {  	s9 =	rddreg [dreg:$0x8];
	[sflag:s12] =	ssyncadd.s32 $0xFFFFF800  }
0x24: {  	[tilespmem:s14], [sflag:$0x1] =	stream.indirect.gather [hbm4b:s3+s13], $0x10, s2, s13, $0xb8;
	[tilespmem:$0x8800] =	vst v63  }
0x25: {  	s15 =	rddreg [dreg:$0x6]  }
0x26: {  	[tilespmem:s19], [sflag:$0x1] =	stream.indirect.gather [hbm4b:s3+s13], $0x10, s13, s13, $0xb8;
	[tilespmem:$0x8800] =	vst v63  }
0x27: {  	s10 =	rddreg [dreg:$0x5]  }
0x28: {  	[tilespmem:s21], [sflag:$0x1] =	stream.indirect.gather [hbm4b:s3+s13], $0x10, s20, s13, $0xb8;
	[tilespmem:$0x8800] =	vst v63  }
0x29: {  	s11 =	rddreg [dreg:$0x7]  }
0x2a: {  	[tilespmem:s23], [sflag:$0x1] =	stream.indirect.gather [hbm4b:s3+s13], $0x10, s22, s13, $0xb8;
	[tilespmem:$0x8800] =	vst v63  }
0x2b: {  	s16 =	rddreg [dreg:$0xa]  }
0x2c: {  	[tilespmem:s15], [sflag:$0x1] =	stream.indirect.gather [hbm4b:s3+s13], $0x10, s10, s13, $0xb8;
	[tilespmem:$0x8800] =	vst v63  }
0x2d: {  	s17 =	rddreg [dreg:$0x9]  }
0x2e: {  	[tilespmem:s9], [sflag:$0x1] =	stream.indirect.gather [hbm4b:s3+s13], $0x10, s11, s13, $0xb8;
	[tilespmem:$0x8800] =	vst v63  }
0x2f: {  	s18 =	rddreg [dreg:$0xc]  }
0x30: {  	[tilespmem:s16], [sflag:$0x1] =	stream.indirect.gather [hbm4b:s3+s13], $0x10, s17, s13, $0xb8;
	[tilespmem:$0x8800] =	vst v63  }
0x31: {  	s9 =	rddreg [dreg:$0xb]  }
0x32: {  	[tilespmem:s18], [sflag:$0x1] =	stream.indirect.gather [hbm4b:s3+s13], $0x10, s9, s13, $0xb8;
	[tilespmem:$0x8800] =	vst v63  }
0x33: {  	s10 =	rddreg [dreg:$0xd];
	s15 =	simm.s32 $0x4800  }
0x34: {  	[tilespmem:s15], [sflag:$0x1] =	stream.indirect.gather [hbm4b:s3+s13], $0x10, s10, s13, $0xb8;
	[tilespmem:$0x8800] =	vst v63  }
0x35: {  	s16 =	simm.s32 $0x480;
	s17 =	simm.s32 $0x5000  }
0x36: {  	[tilespmem:s17], [sflag:$0x1] =	stream.indirect.gather [hbm4b:s3+s13], $0x10, s16, s13, $0xb8;
	[tilespmem:$0x8800] =	vst v63  }
0x37: {  	s18 =	simm.s32 $0x500  }
0x38: {  	[tilespmem:s24], [sflag:$0x1] =	stream.indirect.gather [hbm4b:s3+s13], $0x10, s18, s13, $0xb8;
	[tilespmem:$0x8800] =	vst v63  }
0x39: {  	_ = 	snop  }
0x3a: {  	[tilespmem:s26], [sflag:$0x1] =	stream.indirect.gather [hbm4b:s3+s13], $0x10, s25, s13, $0xb8;
	[tilespmem:$0x8800] =	vst v63  }
0x3b: {  	_ = 	snop  }
0x3c: {  	[tilespmem:s29], [sflag:$0x1] =	stream.indirect.gather [hbm4b:s3+s13], $0x10, s28, s13, $0xb8;
	[tilespmem:$0x8800] =	vst v63  }
0x3d: {  	_ = 	snop  }
0x3e: {  	[tilespmem:s31], [sflag:$0x1] =	stream.indirect.gather [hbm4b:s3+s13], $0x10, s30, s13, $0xb8;
	[tilespmem:$0x8800] =	vst v63  }
0x3f: {  	_ = 	snop  }
0x40: {  	[tilespmem:s0], [sflag:$0x1] =	stream.indirect.gather [hbm4b:s3+s13], $0x10, s1, s13, $0xb8;
	[tilespmem:$0x8800] =	vst v63  }
0x41: {  	_ = 	snop  }
0x42: {  	[tilespmem:s7], [sflag:$0x1] =	stream.indirect.gather [hbm4b:s3+s13], $0x10, s6, s13, $0xb8;
	[tilespmem:$0x8800] =	vst v63  }
0x43: {  	_ =	swait.ge [sflag:s8], $0x800  }
0x44: {  	[sflag:s8] =	ssyncset.done $0x0  }
0x45: {  	[sflag:s8] =	ssyncadd.s32 $0xFFFFF800  }
0x46: {  	_ =	swait.ge [sflag:s8], $0x800  }
0x47: {  	[sflag:s8] =	ssyncset.done $0x0  }
0x48: {  	[sflag:s8] =	ssyncadd.s32 $0xFFFFF800  }
0x49: {  	_ =	swait.ge [sflag:s8], $0x800  }
0x4a: {  	[sflag:s8] =	ssyncset.done $0x0  }
0x4b: {  	[sflag:s8] =	ssyncadd.s32 $0xFFFFF800  }
0x4c: {  	_ =	swait.ge [sflag:s8], $0x800  }
0x4d: {  	[sflag:s8] =	ssyncset.done $0x0  }
0x4e: {  	[sflag:s8] =	ssyncadd.s32 $0xFFFFF800  }
0x4f: {  	_ =	swait.ge [sflag:s8], $0x800  }
0x50: {  	[sflag:s8] =	ssyncset.done $0x0  }
0x51: {  	[sflag:s8] =	ssyncadd.s32 $0xFFFFF800  }
0x52: {  	_ =	swait.ge [sflag:s8], $0x800  }
0x53: {  	[sflag:s8] =	ssyncset.done $0x0  }
0x54: {  	[sflag:s8] =	ssyncadd.s32 $0xFFFFF800  }
0x55: {  	_ =	swait.ge [sflag:s8], $0x800  }
0x56: {  	[sflag:s8] =	ssyncset.done $0x0  }
0x57: {  	[sflag:s8] =	ssyncadd.s32 $0xFFFFF800  }
0x58: {  	_ =	swait.ge [sflag:s8], $0x800  }
0x59: {  	[sflag:s8] =	ssyncset.done $0x0  }
0x5a: {  	[sflag:s8] =	ssyncadd.s32 $0xFFFFF800  }
0x5b: {  	_ =	swait.ge [sflag:s8], $0x800  }
0x5c: {  	[sflag:s8] =	ssyncset.done $0x0  }
0x5d: {  	[sflag:s8] =	ssyncadd.s32 $0xFFFFF800  }
0x5e: {  	_ =	swait.ge [sflag:s8], $0x800  }
0x5f: {  	[sflag:s8] =	ssyncset.done $0x0  }
0x60: {  	[sflag:s8] =	ssyncadd.s32 $0xFFFFF800  }
0x61: {  	_ =	swait.ge [sflag:s8], $0x800  }
0x62: {  	[sflag:s8] =	ssyncset.done $0x0  }
0x63: {  	[sflag:s8] =	ssyncadd.s32 $0xFFFFF800  }
0x64: {  	_ =	swait.ge [sflag:s8], $0x800  }
0x65: {  	[sflag:s8] =	ssyncset.done $0x0  }
0x66: {  	[sflag:s8] =	ssyncadd.s32 $0xFFFFF800  }
0x67: {  	_ =	swait.ge [sflag:s8], $0x800  }
0x68: {  	[sflag:s8] =	ssyncset.done $0x0  }
0x69: {  	[sflag:s8] =	ssyncadd.s32 $0xFFFFF800  }
0x6a: {  	_ =	swait.ge [sflag:s8], $0x800  }
0x6b: {  	[sflag:s8] =	ssyncset.done $0x0  }
0x6c: {  	[sflag:s8] =	ssyncadd.s32 $0xFFFFF800  }
0x6d: {  	_ =	swait.ge [sflag:s8], $0x800  }
0x6e: {  	[sflag:s8] =	ssyncset.done $0x0  }
0x6f: {  	[sflag:s8] =	ssyncadd.s32 $0xFFFFF800  }
0x70: {  	_ =	swait.ge [sflag:s8], $0x800  }
0x71: {  	[sflag:s8] =	ssyncset.done $0x0  }
0x72: {  	s11 =	rddreg [dreg:$0x15];
	[sflag:s8] =	ssyncadd.s32 $0xFFFFF800  }
0x73: {  	[hbm4b:s11+s2] =	stream.linear.scatter [tilespmem:s14], [sflag:$0x2], $0x8000, $0x38;
	[tilespmem:$0x8800] =	vst v63  }
0x74: {  	s4 =	simm.s32 $0x200;
	_ =	swait.ge [sflag:s12], $0x8000  }
0x75: {  	s10 =	simm.s32 $0x100;
	s5 =	rddreg [dreg:$0x4];
	[sflag:s12] =	ssyncset.done $0x0  }
.LBB2_2:
0x76: {  	[sflag:s12] =	ssyncadd.s32 $0xFFFF8000;
	s5 =	sadd.s32 s10, s5  }
0x77: {  	[tilespmem:s2], [sflag:$0x2] =	stream.linear.gather [hbm4b:s5+s2], $0x800, $0x38;
	[tilespmem:$0x8800] =	vst v63  }
0x78: {  	_ =	swait.ge [sflag:s12], $0x800  }
0x79: {  	[sflag:s12] =	ssyncset.done $0x0  }
0x7a: {  	s9 =	smov.u32 s4;
	s5 =	rddreg [dreg:$0xc];
	[sflag:s12] =	ssyncadd.s32 $0xFFFFF800  }
0x7b: {  	[tilespmem:s14], [sflag:$0x1] =	stream.indirect.gather [hbm4b:s3+s13], $0x10, s2, s13, $0xb8;
	[tilespmem:$0x8800] =	vst v63  }
0x7c: {  	s10 =	smov.u32 s9;
	s9 =	rddreg [dreg:$0xa]  }
0x7d: {  	[tilespmem:s19], [sflag:$0x1] =	stream.indirect.gather [hbm4b:s3+s13], $0x10, s13, s13, $0xb8;
	[tilespmem:$0x8800] =	vst v63  }
0x7e: {  	s15 =	rddreg [dreg:$0x8]  }
0x7f: {  	[tilespmem:s21], [sflag:$0x1] =	stream.indirect.gather [hbm4b:s3+s13], $0x10, s20, s13, $0xb8;
	[tilespmem:$0x8800] =	vst v63  }
0x80: {  	s16 =	rddreg [dreg:$0x6]  }
0x81: {  	[tilespmem:s23], [sflag:$0x1] =	stream.indirect.gather [hbm4b:s3+s13], $0x10, s22, s13, $0xb8;
	[tilespmem:$0x8800] =	vst v63  }
0x82: {  	s17 =	rddreg [dreg:$0x5]  }
0x83: {  	[tilespmem:s16], [sflag:$0x1] =	stream.indirect.gather [hbm4b:s3+s13], $0x10, s17, s13, $0xb8;
	[tilespmem:$0x8800] =	vst v63  }
0x84: {  	s18 =	rddreg [dreg:$0x7]  }
0x85: {  	[tilespmem:s15], [sflag:$0x1] =	stream.indirect.gather [hbm4b:s3+s13], $0x10, s18, s13, $0xb8;
	[tilespmem:$0x8800] =	vst v63  }
0x86: {  	s16 =	rddreg [dreg:$0x9]  }
0x87: {  	[tilespmem:s9], [sflag:$0x1] =	stream.indirect.gather [hbm4b:s3+s13], $0x10, s16, s13, $0xb8;
	[tilespmem:$0x8800] =	vst v63  }
0x88: {  	s17 =	rddreg [dreg:$0xb]  }
0x89: {  	[tilespmem:s5], [sflag:$0x1] =	stream.indirect.gather [hbm4b:s3+s13], $0x10, s17, s13, $0xb8;
	[tilespmem:$0x8800] =	vst v63  }
0x8a: {  	s18 =	rddreg [dreg:$0xd];
	s15 =	simm.s32 $0x4800  }
0x8b: {  	[tilespmem:s15], [sflag:$0x1] =	stream.indirect.gather [hbm4b:s3+s13], $0x10, s18, s13, $0xb8;
	[tilespmem:$0x8800] =	vst v63  }
0x8c: {  	s16 =	simm.s32 $0x480;
	s17 =	simm.s32 $0x5000  }
0x8d: {  	[tilespmem:s17], [sflag:$0x1] =	stream.indirect.gather [hbm4b:s3+s13], $0x10, s16, s13, $0xb8;
	[tilespmem:$0x8800] =	vst v63  }
0x8e: {  	s18 =	simm.s32 $0x500  }
0x8f: {  	[tilespmem:s24], [sflag:$0x1] =	stream.indirect.gather [hbm4b:s3+s13], $0x10, s18, s13, $0xb8;
	[tilespmem:$0x8800] =	vst v63  }
0x90: {  	_ = 	snop  }
0x91: {  	[tilespmem:s26], [sflag:$0x1] =	stream.indirect.gather [hbm4b:s3+s13], $0x10, s25, s13, $0xb8;
	[tilespmem:$0x8800] =	vst v63  }
0x92: {  	_ = 	snop  }
0x93: {  	[tilespmem:s29], [sflag:$0x1] =	stream.indirect.gather [hbm4b:s3+s13], $0x10, s28, s13, $0xb8;
	[tilespmem:$0x8800] =	vst v63  }
0x94: {  	_ = 	snop  }
0x95: {  	[tilespmem:s31], [sflag:$0x1] =	stream.indirect.gather [hbm4b:s3+s13], $0x10, s30, s13, $0xb8;
	[tilespmem:$0x8800] =	vst v63  }
0x96: {  	_ = 	snop  }
0x97: {  	[tilespmem:s0], [sflag:$0x1] =	stream.indirect.gather [hbm4b:s3+s13], $0x10, s1, s13, $0xb8;
	[tilespmem:$0x8800] =	vst v63  }
0x98: {  	_ = 	snop  }
0x99: {  	[tilespmem:s7], [sflag:$0x1] =	stream.indirect.gather [hbm4b:s3+s13], $0x10, s6, s13, $0xb8;
	[tilespmem:$0x8800] =	vst v63  }
0x9a: {  	_ =	swait.ge [sflag:s8], $0x800  }
0x9b: {  	[sflag:s8] =	ssyncset.done $0x0  }
0x9c: {  	[sflag:s8] =	ssyncadd.s32 $0xFFFFF800  }
0x9d: {  	_ =	swait.ge [sflag:s8], $0x800  }
0x9e: {  	[sflag:s8] =	ssyncset.done $0x0  }
0x9f: {  	[sflag:s8] =	ssyncadd.s32 $0xFFFFF800  }
0xa0: {  	_ =	swait.ge [sflag:s8], $0x800  }
0xa1: {  	[sflag:s8] =	ssyncset.done $0x0  }
0xa2: {  	[sflag:s8] =	ssyncadd.s32 $0xFFFFF800  }
0xa3: {  	_ =	swait.ge [sflag:s8], $0x800  }
0xa4: {  	[sflag:s8] =	ssyncset.done $0x0  }
0xa5: {  	[sflag:s8] =	ssyncadd.s32 $0xFFFFF800  }
0xa6: {  	_ =	swait.ge [sflag:s8], $0x800  }
0xa7: {  	[sflag:s8] =	ssyncset.done $0x0  }
0xa8: {  	[sflag:s8] =	ssyncadd.s32 $0xFFFFF800  }
0xa9: {  	_ =	swait.ge [sflag:s8], $0x800  }
0xaa: {  	[sflag:s8] =	ssyncset.done $0x0  }
0xab: {  	[sflag:s8] =	ssyncadd.s32 $0xFFFFF800  }
0xac: {  	_ =	swait.ge [sflag:s8], $0x800  }
0xad: {  	[sflag:s8] =	ssyncset.done $0x0  }
0xae: {  	[sflag:s8] =	ssyncadd.s32 $0xFFFFF800  }
0xaf: {  	_ =	swait.ge [sflag:s8], $0x800  }
0xb0: {  	[sflag:s8] =	ssyncset.done $0x0  }
0xb1: {  	[sflag:s8] =	ssyncadd.s32 $0xFFFFF800  }
0xb2: {  	_ =	swait.ge [sflag:s8], $0x800  }
0xb3: {  	[sflag:s8] =	ssyncset.done $0x0  }
0xb4: {  	[sflag:s8] =	ssyncadd.s32 $0xFFFFF800  }
0xb5: {  	_ =	swait.ge [sflag:s8], $0x800  }
0xb6: {  	[sflag:s8] =	ssyncset.done $0x0  }
0xb7: {  	[sflag:s8] =	ssyncadd.s32 $0xFFFFF800  }
0xb8: {  	_ =	swait.ge [sflag:s8], $0x800  }
0xb9: {  	[sflag:s8] =	ssyncset.done $0x0  }
0xba: {  	[sflag:s8] =	ssyncadd.s32 $0xFFFFF800  }
0xbb: {  	_ =	swait.ge [sflag:s8], $0x800  }
0xbc: {  	[sflag:s8] =	ssyncset.done $0x0  }
0xbd: {  	[sflag:s8] =	ssyncadd.s32 $0xFFFFF800  }
0xbe: {  	_ =	swait.ge [sflag:s8], $0x800  }
0xbf: {  	[sflag:s8] =	ssyncset.done $0x0  }
0xc0: {  	[sflag:s8] =	ssyncadd.s32 $0xFFFFF800  }
0xc1: {  	_ =	swait.ge [sflag:s8], $0x800  }
0xc2: {  	[sflag:s8] =	ssyncset.done $0x0  }
0xc3: {  	[sflag:s8] =	ssyncadd.s32 $0xFFFFF800  }
0xc4: {  	_ =	swait.ge [sflag:s8], $0x800  }
0xc5: {  	[sflag:s8] =	ssyncset.done $0x0  }
0xc6: {  	[sflag:s8] =	ssyncadd.s32 $0xFFFFF800  }
0xc7: {  	p0 =	sne.s32 s4, $0x3100;
	_ =	swait.ge [sflag:s8], $0x800  }
.Ltmp0:
0xc8: {  	[sflag:s8] =	ssyncset.done $0x0;
	(pc) =	sbr.rel @p0 .LBB2_2-.Ltmp0, $4  }
0xc9: {  	s11 =	sadd.s32 $0x1000, s11;
	[sflag:s8] =	ssyncadd.s32 $0xFFFFF800  }
0xca: {  	[hbm4b:s11+s2] =	stream.linear.scatter [tilespmem:s14], [sflag:$0x2], $0x8000, $0x38;
	[tilespmem:$0x8800] =	vst v63  }
0xcb: {  	_ =	swait.ge [sflag:s12], $0x8000  }
0xcc: {  	s4 =	sadd.s32 $0x100, s4;
	s5 =	rddreg [dreg:$0x4];
	[sflag:s12] =	ssyncset.done $0x0  }
0xcd: {  	[sflag:s12] =	ssyncadd.s32 $0xFFFF8000;
	s4 =	sadd.s32 s10, s5  }
0xce: {  	[tilespmem:s2], [sflag:$0x2] =	stream.linear.gather [hbm4b:s4+s2], $0x800, $0x38;
	[tilespmem:$0x8800] =	vst v63  }
0xcf: {  	_ =	swait.ge [sflag:s12], $0x800  }
0xd0: {  	[sflag:s12] =	ssyncset.done $0x0  }
0xd1: {  	s21 =	rddreg [dreg:$0x8];
	[sflag:s12] =	ssyncadd.s32 $0xFFFFF800  }
0xd2: {  	[tilespmem:s14], [sflag:$0x1] =	stream.indirect.gather [hbm4b:s3+s13], $0x10, s2, s13, $0xb8;
	[tilespmem:$0x8800] =	vst v63  }
0xd3: {  	s20 =	simm.s32 $0x1000;
	s22 =	rddreg [dreg:$0x6]  }
0xd4: {  	[tilespmem:s20], [sflag:$0x1] =	stream.indirect.gather [hbm4b:s3+s13], $0x10, s13, s13, $0xb8;
	[tilespmem:$0x8800] =	vst v63  }
0xd5: {  	s16 =	simm.s32 $0x100;
	s17 =	simm.s32 $0x1800;
	s9 =	rddreg [dreg:$0x5]  }
0xd6: {  	[tilespmem:s17], [sflag:$0x1] =	stream.indirect.gather [hbm4b:s3+s13], $0x10, s16, s13, $0xb8;
	[tilespmem:$0x8800] =	vst v63  }
0xd7: {  	s18 =	simm.s32 $0x180;
	s15 =	simm.s32 $0x2000;
	s23 =	rddreg [dreg:$0x7]  }
0xd8: {  	[tilespmem:s15], [sflag:$0x1] =	stream.indirect.gather [hbm4b:s3+s13], $0x10, s18, s13, $0xb8;
	[tilespmem:$0x8800] =	vst v63  }
0xd9: {  	s19 =	rddreg [dreg:$0x9]  }
0xda: {  	[tilespmem:s22], [sflag:$0x1] =	stream.indirect.gather [hbm4b:s3+s13], $0x10, s9, s13, $0xb8;
	[tilespmem:$0x8800] =	vst v63  }
0xdb: {  	s9 =	rddreg [dreg:$0xa]  }
0xdc: {  	[tilespmem:s21], [sflag:$0x1] =	stream.indirect.gather [hbm4b:s3+s13], $0x10, s23, s13, $0xb8;
	[tilespmem:$0x8800] =	vst v63  }
0xdd: {  	s22 =	rddreg [dreg:$0xb]  }
0xde: {  	[tilespmem:s9], [sflag:$0x1] =	stream.indirect.gather [hbm4b:s3+s13], $0x10, s19, s13, $0xb8;
	[tilespmem:$0x8800] =	vst v63  }
0xdf: {  	s21 =	rddreg [dreg:$0xc]  }
0xe0: {  	[tilespmem:s21], [sflag:$0x1] =	stream.indirect.gather [hbm4b:s3+s13], $0x10, s22, s13, $0xb8;
	[tilespmem:$0x8800] =	vst v63  }
0xe1: {  	s23 =	rddreg [dreg:$0xd];
	s9 =	simm.s32 $0x4800  }
0xe2: {  	[tilespmem:s9], [sflag:$0x1] =	stream.indirect.gather [hbm4b:s3+s13], $0x10, s23, s13, $0xb8;
	[tilespmem:$0x8800] =	vst v63  }
0xe3: {  	s10 =	simm.s32 $0x480;
	s19 =	simm.s32 $0x5000  }
0xe4: {  	[tilespmem:s19], [sflag:$0x1] =	stream.indirect.gather [hbm4b:s3+s13], $0x10, s10, s13, $0xb8;
	[tilespmem:$0x8800] =	vst v63  }
0xe5: {  	s21 =	simm.s32 $0x500  }
0xe6: {  	[tilespmem:s24], [sflag:$0x1] =	stream.indirect.gather [hbm4b:s3+s13], $0x10, s21, s13, $0xb8;
	[tilespmem:$0x8800] =	vst v63  }
0xe7: {  	_ = 	snop  }
0xe8: {  	[tilespmem:s26], [sflag:$0x1] =	stream.indirect.gather [hbm4b:s3+s13], $0x10, s25, s13, $0xb8;
	[tilespmem:$0x8800] =	vst v63  }
0xe9: {  	_ = 	snop  }
0xea: {  	[tilespmem:s29], [sflag:$0x1] =	stream.indirect.gather [hbm4b:s3+s13], $0x10, s28, s13, $0xb8;
	[tilespmem:$0x8800] =	vst v63  }
0xeb: {  	_ = 	snop  }
0xec: {  	[tilespmem:s31], [sflag:$0x1] =	stream.indirect.gather [hbm4b:s3+s13], $0x10, s30, s13, $0xb8;
	[tilespmem:$0x8800] =	vst v63  }
0xed: {  	_ = 	snop  }
0xee: {  	[tilespmem:s0], [sflag:$0x1] =	stream.indirect.gather [hbm4b:s3+s13], $0x10, s1, s13, $0xb8;
	[tilespmem:$0x8800] =	vst v63  }
0xef: {  	_ = 	snop  }
0xf0: {  	[tilespmem:s7], [sflag:$0x1] =	stream.indirect.gather [hbm4b:s3+s13], $0x10, s6, s13, $0xb8;
	[tilespmem:$0x8800] =	vst v63  }
0xf1: {  	_ =	swait.ge [sflag:s8], $0x800  }
0xf2: {  	[sflag:s8] =	ssyncset.done $0x0  }
0xf3: {  	[sflag:s8] =	ssyncadd.s32 $0xFFFFF800  }
0xf4: {  	_ =	swait.ge [sflag:s8], $0x800  }
0xf5: {  	[sflag:s8] =	ssyncset.done $0x0  }
0xf6: {  	[sflag:s8] =	ssyncadd.s32 $0xFFFFF800  }
0xf7: {  	_ =	swait.ge [sflag:s8], $0x800  }
0xf8: {  	[sflag:s8] =	ssyncset.done $0x0  }
0xf9: {  	[sflag:s8] =	ssyncadd.s32 $0xFFFFF800  }
0xfa: {  	_ =	swait.ge [sflag:s8], $0x800  }
0xfb: {  	[sflag:s8] =	ssyncset.done $0x0  }
0xfc: {  	[sflag:s8] =	ssyncadd.s32 $0xFFFFF800  }
0xfd: {  	_ =	swait.ge [sflag:s8], $0x800  }
0xfe: {  	[sflag:s8] =	ssyncset.done $0x0  }
0xff: {  	[sflag:s8] =	ssyncadd.s32 $0xFFFFF800  }
0x100: {  	_ =	swait.ge [sflag:s8], $0x800  }
0x101: {  	[sflag:s8] =	ssyncset.done $0x0  }
0x102: {  	[sflag:s8] =	ssyncadd.s32 $0xFFFFF800  }
0x103: {  	_ =	swait.ge [sflag:s8], $0x800  }
0x104: {  	[sflag:s8] =	ssyncset.done $0x0  }
0x105: {  	[sflag:s8] =	ssyncadd.s32 $0xFFFFF800  }
0x106: {  	_ =	swait.ge [sflag:s8], $0x800  }
0x107: {  	[sflag:s8] =	ssyncset.done $0x0  }
0x108: {  	[sflag:s8] =	ssyncadd.s32 $0xFFFFF800  }
0x109: {  	_ =	swait.ge [sflag:s8], $0x800  }
0x10a: {  	[sflag:s8] =	ssyncset.done $0x0  }
0x10b: {  	[sflag:s8] =	ssyncadd.s32 $0xFFFFF800  }
0x10c: {  	_ =	swait.ge [sflag:s8], $0x800  }
0x10d: {  	[sflag:s8] =	ssyncset.done $0x0  }
0x10e: {  	[sflag:s8] =	ssyncadd.s32 $0xFFFFF800  }
0x10f: {  	_ =	swait.ge [sflag:s8], $0x800  }
0x110: {  	[sflag:s8] =	ssyncset.done $0x0  }
0x111: {  	[sflag:s8] =	ssyncadd.s32 $0xFFFFF800  }
0x112: {  	_ =	swait.ge [sflag:s8], $0x800  }
0x113: {  	[sflag:s8] =	ssyncset.done $0x0  }
0x114: {  	[sflag:s8] =	ssyncadd.s32 $0xFFFFF800  }
0x115: {  	_ =	swait.ge [sflag:s8], $0x800  }
0x116: {  	[sflag:s8] =	ssyncset.done $0x0  }
0x117: {  	[sflag:s8] =	ssyncadd.s32 $0xFFFFF800  }
0x118: {  	_ =	swait.ge [sflag:s8], $0x800  }
0x119: {  	[sflag:s8] =	ssyncset.done $0x0  }
0x11a: {  	[sflag:s8] =	ssyncadd.s32 $0xFFFFF800  }
0x11b: {  	_ =	swait.ge [sflag:s8], $0x800  }
0x11c: {  	[sflag:s8] =	ssyncset.done $0x0  }
0x11d: {  	[sflag:s8] =	ssyncadd.s32 $0xFFFFF800  }
0x11e: {  	_ =	swait.ge [sflag:s8], $0x800  }
0x11f: {  	[sflag:s8] =	ssyncset.done $0x0  }
0x120: {  	s22 =	sadd.s32 $0x1000, s11;
	[sflag:s8] =	ssyncadd.s32 $0xFFFFF800  }
0x121: {  	[hbm4b:s22+s2] =	stream.linear.scatter [tilespmem:s14], [sflag:$0x2], $0x8000, $0x38;
	[tilespmem:$0x8800] =	vst v63  }
0x122: {  	_ =	swait.ge [sflag:s12], $0x8000  }
0x123: {  	[sflag:s12] =	ssyncset.done $0x0  }
0x124: {  	s23 =	rddreg [dreg:$0x10];
	[sflag:s12] =	ssyncadd.s32 $0xFFFF8000  }
0x125: {  	[tilespmem:s2], [sflag:$0x2] =	stream.linear.gather [hbm4b:s23+s2], $0x200, $0x38;
	[tilespmem:$0x8800] =	vst v63  }
0x126: {  	_ =	swait.ge [sflag:s12], $0x200  }
0x127: {  	[sflag:s12] =	ssyncset.done $0x0  }
0x128: {  	s5 =	rddreg [dreg:$0xe];
	[sflag:s12] =	ssyncadd.s32 $0xFFFFFE00  }
0x129: {  	[tilespmem:s14], [sflag:$0x1] =	stream.indirect.gather [hbm4b:s5+s13], $0x10, s2, s13, $0xb8;
	[tilespmem:$0x8800] =	vst v63  }
0x12a: {  	_ = 	snop  }
0x12b: {  	[tilespmem:s20], [sflag:$0x1] =	stream.indirect.gather [hbm4b:s5+s13], $0x10, s13, s13, $0xb8;
	[tilespmem:$0x8800] =	vst v63  }
0x12c: {  	_ = 	snop  }
0x12d: {  	[tilespmem:s17], [sflag:$0x1] =	stream.indirect.gather [hbm4b:s5+s13], $0x10, s16, s13, $0xb8;
	[tilespmem:$0x8800] =	vst v63  }
0x12e: {  	_ = 	snop  }
0x12f: {  	[tilespmem:s15], [sflag:$0x1] =	stream.indirect.gather [hbm4b:s5+s13], $0x10, s18, s13, $0xb8;
	[tilespmem:$0x8800] =	vst v63  }
0x130: {  	_ =	swait.ge [sflag:s8], $0x800  }
0x131: {  	[sflag:s8] =	ssyncset.done $0x0  }
0x132: {  	[sflag:s8] =	ssyncadd.s32 $0xFFFFF800  }
0x133: {  	_ =	swait.ge [sflag:s8], $0x800  }
0x134: {  	[sflag:s8] =	ssyncset.done $0x0  }
0x135: {  	[sflag:s8] =	ssyncadd.s32 $0xFFFFF800  }
0x136: {  	_ =	swait.ge [sflag:s8], $0x800  }
0x137: {  	[sflag:s8] =	ssyncset.done $0x0  }
0x138: {  	[sflag:s8] =	ssyncadd.s32 $0xFFFFF800  }
0x139: {  	_ =	swait.ge [sflag:s8], $0x800  }
0x13a: {  	[sflag:s8] =	ssyncset.done $0x0  }
0x13b: {  	s9 =	rddreg [dreg:$0x11];
	[sflag:s8] =	ssyncadd.s32 $0xFFFFF800  }
0x13c: {  	[hbm4b:s9+s2] =	stream.linear.scatter [tilespmem:s14], [sflag:$0x2], $0x2000, $0x38;
	[tilespmem:$0x8800] =	vst v63  }
0x13d: {  	_ =	swait.ge [sflag:s12], $0x2000  }
0x13e: {  	[sflag:s12] =	ssyncset.done $0x0  }
0x13f: {  	s10 =	rddreg [dreg:$0x12];
	[sflag:s12] =	ssyncadd.s32 $0xFFFFE000  }
0x140: {  	[tilespmem:s2], [sflag:$0x2] =	stream.linear.gather [hbm4b:s10+s2], $0x200, $0x38;
	[tilespmem:$0x8800] =	vst v63  }
0x141: {  	_ =	swait.ge [sflag:s12], $0x200  }
0x142: {  	[sflag:s12] =	ssyncset.done $0x0  }
0x143: {  	s11 =	rddreg [dreg:$0xf];
	[sflag:s12] =	ssyncadd.s32 $0xFFFFFE00  }
0x144: {  	[tilespmem:s14], [sflag:$0x1] =	stream.indirect.gather [hbm4b:s11+s13], $0x10, s2, s13, $0xb8;
	[tilespmem:$0x8800] =	vst v63  }
0x145: {  	_ = 	snop  }
0x146: {  	[tilespmem:s20], [sflag:$0x1] =	stream.indirect.gather [hbm4b:s11+s13], $0x10, s13, s13, $0xb8;
	[tilespmem:$0x8800] =	vst v63  }
0x147: {  	_ = 	snop  }
0x148: {  	[tilespmem:s17], [sflag:$0x1] =	stream.indirect.gather [hbm4b:s11+s13], $0x10, s16, s13, $0xb8;
	[tilespmem:$0x8800] =	vst v63  }
0x149: {  	_ = 	snop  }
0x14a: {  	[tilespmem:s15], [sflag:$0x1] =	stream.indirect.gather [hbm4b:s11+s13], $0x10, s18, s13, $0xb8;
	[tilespmem:$0x8800] =	vst v63  }
0x14b: {  	_ =	swait.ge [sflag:s8], $0x800  }
0x14c: {  	[sflag:s8] =	ssyncset.done $0x0  }
0x14d: {  	[sflag:s8] =	ssyncadd.s32 $0xFFFFF800  }
0x14e: {  	_ =	swait.ge [sflag:s8], $0x800  }
0x14f: {  	[sflag:s8] =	ssyncset.done $0x0  }
0x150: {  	[sflag:s8] =	ssyncadd.s32 $0xFFFFF800  }
0x151: {  	_ =	swait.ge [sflag:s8], $0x800  }
0x152: {  	[sflag:s8] =	ssyncset.done $0x0  }
0x153: {  	[sflag:s8] =	ssyncadd.s32 $0xFFFFF800  }
0x154: {  	_ =	swait.ge [sflag:s8], $0x800  }
0x155: {  	[sflag:s8] =	ssyncset.done $0x0  }
0x156: {  	s16 =	rddreg [dreg:$0x13];
	[sflag:s8] =	ssyncadd.s32 $0xFFFFF800  }
0x157: {  	[hbm4b:s16+s2] =	stream.linear.scatter [tilespmem:s14], [sflag:$0x2], $0x2000, $0x38;
	[tilespmem:$0x8800] =	vst v63  }
0x158: {  	_ =	swait.ge [sflag:s12], $0x2000  }
0x159: {  	s17 =	rddreg [dreg:$0x16]  }
0x15a: {  	s18 =	rddreg [dreg:$0x14];
	s5 =	sadd.s32 $0x1, s17  }
0x15b: {  	p0 =	sne.s32 s5, s18  }
.Ltmp1:
0x15c: {  	_ = 	snop;
	(pc) =	sbr.rel @p0 .LBB2_1-.Ltmp1, $4  }
0x15d: {  	_ = 	snop  }
0x15e: {  	s19 =	simm.s32 $0x1000  }
0x15f: {  	s21 =	simm.s32 $0x1800;
	s22 =	simm.s32 $0x180;
	[sflag:s12] =	ssyncset.done $0x0  }
0x160: {  	s23 =	simm.s32 $0x2000;
	s20 =	simm.s32 $0x100;
	[sflag:s12] =	ssyncadd.s32 $0xFFFFE000  }
0x161: {  	_ =	sfence.sel $0x180000  }
0x162: {  	[bflag:$0x0] =	sbarrier.arrive $0xFFFF  }
0x163: {  	_ =	strace $0x90000047  }
0x164: {  	s0 =	stileid.u32;
	[bflag:$0x2] =	sbarrier.arrive $0xFFFF  }
0x165: {  	p0 =	sne.s32 s0, $0x0;
	s0 =	rddreg [dreg:$0x3]  }
0x166: {  	s0 =	sadd.s32 @!p0 $0x100000, s0  }
0x167: {  	[sflag:s0] =	ssyncadd.tile.s32 @!p0 $0x1;
	_ =	shalt  }
.Lfunc_end2:
_tile_overlayer_lowered:
.L_overlay_start_2:
0x168: {  	(tag) =	ssettag $0x2  }
0x169: {  	s0 =	rddreg [dreg:$0x0];
	s2 =	stileid.u32  }
0x16a: {  	s1 =	rddreg [dreg:$0x1];
	p0 =	sne.s32 s2, $0x0  }
0x16b: {  	s3 =	rddreg [dreg:$0x2];
	[bflag:$0x3] =	sbarrier.arrive $0xFFFF;
	s2 =	simm.s32 @!p0 $0x1C02  }
0x16c: {  	[timem:s3], [sflag:s2] =	dma.local @!p0 [hbm:s0], s1  }
0x16d: {  	s0 =	simm.s32 @!p0 $0x2  }
0x16e: {  	_ =	swait.ge @!p0 [sflag:s0], s1  }
0x16f: {  	s1 =	ssub.s32 @!p0 $0x0, s1;
	[sflag:s0] =	ssyncset.done @!p0 $0x0  }
0x170: {  	[sflag:s0] =	ssyncadd.s32 @!p0 s1  }
0x171: {  	[bflag:$0x3] =	sbarrier.arrive $0xFFFF  }
0x172: {  	_ =	shalt  }

</sc_bundles>
